<compile_context>
chip_gen: v7x
topology: tpu7x:2x2x1
jax: 0.10.2.dev20260603
libtpu: 0.0.44.dev20260713+nightly
codegen_flags: <defaults>
</compile_context>

<pallas_src>
import functools

import jax
import jax.numpy as jnp
from jax import lax
from jax.experimental import pallas as pl
from jax.experimental.pallas import tpu as pltpu
from jax.experimental.pallas import tpu_sc as plsc

N = 10000
D = 128
E = 320000

NC = 2
NS = 16
NH = 2
DH = D // NH
B = 128
NB = 157
PAD_E = NS * NB * B
ACC_ROWS = N + 16
ZROWS = 64
RPT = 624


def _make_kernel():
    mesh = plsc.VectorSubcoreMesh(core_axis_name="c", subcore_axis_name="s")

    @functools.partial(
        pl.kernel,
        out_type=jax.ShapeDtypeStruct((NC, NH, N, DH), jnp.float32),
        mesh=mesh,
        scratch_types=[
            pltpu.VMEM((NB, B), jnp.int32),
            pltpu.VMEM((NB, B), jnp.int32),
            pltpu.VMEM((B, DH), jnp.float32),
            pltpu.VMEM((ZROWS, DH), jnp.float32),
            pltpu.VMEM_SHARED((ACC_ROWS, DH), jnp.float32),
            pltpu.SemaphoreType.DMA,
        ],
        compiler_params=pltpu.CompilerParams(use_tc_tiling_on_sc=False),
    )
    def spmm2(x_hbm, idx_hbm, out_hbm, dst_idx, src_idx, rows, zbuf, acc, gsem):
        c = lax.axis_index("c")
        s = lax.axis_index("s")

        pltpu.sync_copy(idx_hbm.at[c, 0, s], dst_idx)
        pltpu.sync_copy(idx_hbm.at[c, 1, s], src_idx)

        def zstore(t, carry):
            zbuf[t >> 2, pl.ds((t & 3) * 16, 16)] = jnp.zeros((16,), jnp.float32)
            return carry
        lax.fori_loop(0, ZROWS * (DH // 16), zstore, 0)

        zbase = s * RPT
        obase = s * RPT
        ztail = ACC_ROWS - NS * RPT
        otail = N - NS * RPT

        for p in range(NH):
            def zcopy(k, carry):
                pltpu.sync_copy(zbuf, acc.at[pl.ds(zbase + k * ZROWS, ZROWS)])
                return carry
            lax.fori_loop(0, RPT // ZROWS, zcopy, 0)
            rem = RPT % ZROWS
            if rem:
                pltpu.sync_copy(
                    zbuf.at[pl.ds(0, rem)],
                    acc.at[pl.ds(zbase + (RPT // ZROWS) * ZROWS, rem)],
                )

            @pl.when(s == NS - 1)
            def _ztail():
                pltpu.sync_copy(
                    zbuf.at[pl.ds(0, ztail)],
                    acc.at[pl.ds(NS * RPT, ztail)],
                )

            plsc.subcore_barrier()

            def body(j, carry):
                pltpu.async_copy(
                    x_hbm.at[p].at[src_idx.at[j]], rows, gsem
                ).wait()
                pltpu.sync_copy(rows, acc.at[dst_idx.at[j]], add=True)
                return carry
            lax.fori_loop(0, NB, body, 0)

            plsc.subcore_barrier()

            pltpu.sync_copy(
                acc.at[pl.ds(obase, RPT)],
                out_hbm.at[c, p].at[pl.ds(obase, RPT)],
            )

            @pl.when(s == NS - 1)
            def _otail():
                pltpu.sync_copy(
                    acc.at[pl.ds(NS * RPT, otail)],
                    out_hbm.at[c, p].at[pl.ds(NS * RPT, otail)],
                )

            plsc.subcore_barrier()

    return spmm2


_spmm2 = _make_kernel()


@jax.jit
def _run(x, adj_t, adj_t2):
    def prep(adj):
        dst = adj[0].astype(jnp.int32)
        src = adj[1].astype(jnp.int32)
        dst = jnp.concatenate([dst, jnp.full((PAD_E - E,), N, jnp.int32)])
        src = jnp.concatenate([src, jnp.zeros((PAD_E - E,), jnp.int32)])
        return jnp.stack([dst, src])

    idx = jnp.stack([prep(adj_t), prep(adj_t2)]).reshape(NC, 2, NS, NB, B)
    xh = jnp.transpose(x.reshape(N, NH, DH), (1, 0, 2))
    out = _spmm2(xh, idx)
    return jnp.concatenate([out[0, 0], out[0, 1], out[1, 0], out[1, 1]], axis=1)


def kernel(x, adj_t, adj_t2):
    return _run(x, adj_t, adj_t2)

# --- scband reference (transcript-rebuilt; emitter-appended) ---
"""Pipeline reference for scband-het-conv-31920196944464 (READ-ONLY COPY).

The authoritative reference and input builder live on the scoring server;
editing this copy changes nothing except your own understanding.
"""

import jax, jax.numpy as jnp
import numpy as np

N_NODES = 10000
N_EDGES = 320000
D_FEAT = 128


def setup_inputs(seed: int = 0) -> dict:
    key = jax.random.key(seed)
    k1, k2, k3 = jax.random.split(key, 3)
    x = jax.random.normal(k1, (N_NODES, D_FEAT), dtype=jnp.float32)
    adj_t = jax.random.randint(k2, (2, N_EDGES), 0, N_NODES, dtype=jnp.int64)
    adj_t2 = jax.random.randint(k3, (2, N_EDGES), 0, N_NODES, dtype=jnp.int64)
    return {"x": x, "adj_t": adj_t, "adj_t2": adj_t2}


def _spmm(edge_index, x, num_nodes):
    # Sparse adjacency (COO, implicit weight 1.0) times dense x:
    # out[dst] = sum over edges (dst, src) of x[src]
    dst = edge_index[0]
    src = edge_index[1]
    msgs = jnp.take(x, src, axis=0)          # gather
    return jax.ops.segment_sum(msgs, dst, num_segments=num_nodes)  # scatter-add


def reference(x, adj_t, adj_t2):
    n = x.shape[0]
    x1 = _spmm(adj_t, x, n)
    x2 = _spmm(adj_t2, x, n)
    return jnp.concatenate([x1, x2], axis=1)

if __name__ == "__main__":
    import jax
    _d = setup_inputs()
    print(jax.jit(kernel)(*tuple(_d.values())))

</pallas_src>

<mosaic_0001>
#map = affine_map<(d0, d1) -> (0, 0, 0)>
#map1 = affine_map<(d0, d1) -> (0, 0, 0, 0, 0)>
#map2 = affine_map<(d0, d1) -> (0, 0, 0, 0)>
module attributes {stable_mosaic.version = 14 : i64} {
  func.func @spmm2(%arg0: i32, %arg1: i32, %arg2: memref<2x10000x64xf32, #tpu.memory_space<hbm>>, %arg3: memref<2x2x16x157x128xi32, #tpu.memory_space<hbm>>, %arg4: memref<2x2x10000x64xf32, #tpu.memory_space<hbm>>, %arg5: memref<157x128xi32, #tpu.memory_space<vmem>>, %arg6: memref<157x128xi32, #tpu.memory_space<vmem>>, %arg7: memref<128x64xf32, #tpu.memory_space<vmem>>, %arg8: memref<64x64xf32, #tpu.memory_space<vmem>>, %arg9: memref<10016x64xf32, #tpu.memory_space<vmem_shared>>, %arg10: memref<!tpu.dma_semaphore, #tpu.memory_space<semaphore_mem>>) attributes {dimension_semantics = [#tpu.dimension_semantics<core_parallel>, #tpu.dimension_semantics<subcore_parallel>], iteration_bounds = array<i64: 2, 16>, scalar_prefetch = 0 : i64, scratch_operands = 6 : i64, tpu.core_type = #tpu.core_type<sc_vector_subcore>, window_params = [{transform_indices = #map}, {transform_indices = #map1}, {transform_indices = #map2}]} {
    %run_scoped3A = arith.constant 0 : i32
    "tpu.region"() ({
      %run_scoped3A_60 = tpu.sem_alloc : memref<!tpu.dma_semaphore, #tpu.memory_space<semaphore_mem>>
      %dma_start3A = arith.constant 0 : i32
      %dma_start3A_61 = arith.constant 0 : i32
      %dma_start3A_62 = tpu.memref_slice %arg3[%arg0, %run_scoped3A, %arg1, %dma_start3A, %dma_start3A_61] : memref<2x2x16x157x128xi32, #tpu.memory_space<hbm>> -> memref<1x1x1x157x128xi32, #tpu.memory_space<hbm>>
      %dma_start3A_63 = tpu.memref_squeeze %dma_start3A_62 : memref<1x1x1x157x128xi32, #tpu.memory_space<hbm>> -> memref<157x128xi32, #tpu.memory_space<hbm>>
      %dma_start3A_64 = arith.constant 0 : i32
      %dma_start3A_65 = arith.constant 0 : i32
      %dma_start3A_66 = tpu.memref_slice %arg3[%arg0, %run_scoped3A, %arg1, %dma_start3A_64, %dma_start3A_65] : memref<2x2x16x157x128xi32, #tpu.memory_space<hbm>> -> memref<1x1x1x157x128xi32, #tpu.memory_space<hbm>>
      %dma_start3A_67 = tpu.memref_squeeze %dma_start3A_66 : memref<1x1x1x157x128xi32, #tpu.memory_space<hbm>> -> memref<157x128xi32, #tpu.memory_space<hbm>>
      tpu.enqueue_dma source(%dma_start3A_67 : memref<157x128xi32, #tpu.memory_space<hbm>>) target(%arg5 : memref<157x128xi32, #tpu.memory_space<vmem>>) target_semaphore(%run_scoped3A_60 : memref<!tpu.dma_semaphore, #tpu.memory_space<semaphore_mem>>)
      %dma_wait3A = arith.constant 0 : i32
      %dma_wait3A_68 = arith.constant 0 : i32
      %dma_wait3A_69 = tpu.memref_slice %arg3[%arg0, %run_scoped3A, %arg1, %dma_wait3A, %dma_wait3A_68] : memref<2x2x16x157x128xi32, #tpu.memory_space<hbm>> -> memref<1x1x1x157x128xi32, #tpu.memory_space<hbm>>
      %dma_wait3A_70 = tpu.memref_squeeze %dma_wait3A_69 : memref<1x1x1x157x128xi32, #tpu.memory_space<hbm>> -> memref<157x128xi32, #tpu.memory_space<hbm>>
      %dma_wait3A_71 = arith.constant 0 : i32
      %dma_wait3A_72 = arith.constant 0 : i32
      %dma_wait3A_73 = tpu.memref_slice %arg3[%arg0, %run_scoped3A, %arg1, %dma_wait3A_71, %dma_wait3A_72] : memref<2x2x16x157x128xi32, #tpu.memory_space<hbm>> -> memref<1x1x1x157x128xi32, #tpu.memory_space<hbm>>
      %dma_wait3A_74 = tpu.memref_squeeze %dma_wait3A_73 : memref<1x1x1x157x128xi32, #tpu.memory_space<hbm>> -> memref<157x128xi32, #tpu.memory_space<hbm>>
      tpu.wait_dma2 semaphore(%run_scoped3A_60 : memref<!tpu.dma_semaphore, #tpu.memory_space<semaphore_mem>>) src(%dma_wait3A_74 : memref<157x128xi32, #tpu.memory_space<hbm>>) dst(%arg5 : memref<157x128xi32, #tpu.memory_space<vmem>>)
      tpu.yield
    }) : () -> ()
    %run_scoped3A_0 = arith.constant 1 : i32
    "tpu.region"() ({
      %run_scoped3A_60 = tpu.sem_alloc : memref<!tpu.dma_semaphore, #tpu.memory_space<semaphore_mem>>
      %dma_start3A = arith.constant 0 : i32
      %dma_start3A_61 = arith.constant 0 : i32
      %dma_start3A_62 = tpu.memref_slice %arg3[%arg0, %run_scoped3A_0, %arg1, %dma_start3A, %dma_start3A_61] : memref<2x2x16x157x128xi32, #tpu.memory_space<hbm>> -> memref<1x1x1x157x128xi32, #tpu.memory_space<hbm>>
      %dma_start3A_63 = tpu.memref_squeeze %dma_start3A_62 : memref<1x1x1x157x128xi32, #tpu.memory_space<hbm>> -> memref<157x128xi32, #tpu.memory_space<hbm>>
      %dma_start3A_64 = arith.constant 0 : i32
      %dma_start3A_65 = arith.constant 0 : i32
      %dma_start3A_66 = tpu.memref_slice %arg3[%arg0, %run_scoped3A_0, %arg1, %dma_start3A_64, %dma_start3A_65] : memref<2x2x16x157x128xi32, #tpu.memory_space<hbm>> -> memref<1x1x1x157x128xi32, #tpu.memory_space<hbm>>
      %dma_start3A_67 = tpu.memref_squeeze %dma_start3A_66 : memref<1x1x1x157x128xi32, #tpu.memory_space<hbm>> -> memref<157x128xi32, #tpu.memory_space<hbm>>
      tpu.enqueue_dma source(%dma_start3A_67 : memref<157x128xi32, #tpu.memory_space<hbm>>) target(%arg6 : memref<157x128xi32, #tpu.memory_space<vmem>>) target_semaphore(%run_scoped3A_60 : memref<!tpu.dma_semaphore, #tpu.memory_space<semaphore_mem>>)
      %dma_wait3A = arith.constant 0 : i32
      %dma_wait3A_68 = arith.constant 0 : i32
      %dma_wait3A_69 = tpu.memref_slice %arg3[%arg0, %run_scoped3A_0, %arg1, %dma_wait3A, %dma_wait3A_68] : memref<2x2x16x157x128xi32, #tpu.memory_space<hbm>> -> memref<1x1x1x157x128xi32, #tpu.memory_space<hbm>>
      %dma_wait3A_70 = tpu.memref_squeeze %dma_wait3A_69 : memref<1x1x1x157x128xi32, #tpu.memory_space<hbm>> -> memref<157x128xi32, #tpu.memory_space<hbm>>
      %dma_wait3A_71 = arith.constant 0 : i32
      %dma_wait3A_72 = arith.constant 0 : i32
      %dma_wait3A_73 = tpu.memref_slice %arg3[%arg0, %run_scoped3A_0, %arg1, %dma_wait3A_71, %dma_wait3A_72] : memref<2x2x16x157x128xi32, #tpu.memory_space<hbm>> -> memref<1x1x1x157x128xi32, #tpu.memory_space<hbm>>
      %dma_wait3A_74 = tpu.memref_squeeze %dma_wait3A_73 : memref<1x1x1x157x128xi32, #tpu.memory_space<hbm>> -> memref<157x128xi32, #tpu.memory_space<hbm>>
      tpu.wait_dma2 semaphore(%run_scoped3A_60 : memref<!tpu.dma_semaphore, #tpu.memory_space<semaphore_mem>>) src(%dma_wait3A_74 : memref<157x128xi32, #tpu.memory_space<hbm>>) dst(%arg6 : memref<157x128xi32, #tpu.memory_space<vmem>>)
      tpu.yield
    }) : () -> ()
    %scan3A = arith.constant 0 : i32
    %scan3A_1 = arith.constant 0 : i32
    %scan3A_2 = arith.constant 256 : i32
    %scan3A_3 = arith.addi %scan3A_1, %scan3A_2 : i32
    %scan3A_4 = arith.constant 1 : i32
    scf.for %scan3A_60 = %scan3A_1 to %scan3A_3 step %scan3A_4  : i32 {
      %broadcast_in_dim3A = arith.constant 0.000000e+00 : f32
      %broadcast_in_dim3A_61 = vector.broadcast %broadcast_in_dim3A : f32 to vector<16xf32>
      %shift_right_arithmetic3A = arith.constant 2 : i32
      %shift_right_arithmetic3A_62 = arith.shrsi %scan3A_60, %shift_right_arithmetic3A : i32
      %and3A = arith.constant 3 : i32
      %and3A_63 = arith.andi %scan3A_60, %and3A : i32
      %mul3A_64 = arith.constant 16 : i32
      %mul3A_65 = arith.muli %and3A_63, %mul3A_64 : i32
      %swap3A = arith.index_cast %shift_right_arithmetic3A_62 : i32 to index
      %swap3A_66 = arith.index_cast %mul3A_65 : i32 to index
      %swap3A_67 = tpu.vector_load %arg8[%swap3A, %swap3A_66] {strides = array<i32>} : memref<64x64xf32, #tpu.memory_space<vmem>>, vector<1x16xf32>,
      %swap3A_68 = vector.shape_cast %swap3A_67 : vector<1x16xf32> to vector<16xf32>
      %swap3A_69 = vector.shape_cast %broadcast_in_dim3A_61 : vector<16xf32> to vector<1x16xf32>
      tpu.vector_store %arg8[%swap3A, %swap3A_66], %swap3A_69 {strides = array<i32>} : memref<64x64xf32, #tpu.memory_space<vmem>>, vector<1x16xf32>,
    }
    %scan3A_5 = arith.constant 256 : i32
    %mul3A = arith.constant 624 : i32
    %mul3A_6 = arith.muli %arg1, %mul3A : i32
    %mul3A_7 = arith.constant 624 : i32
    %mul3A_8 = arith.muli %arg1, %mul3A_7 : i32
    %scan3A_9 = arith.constant 0 : i32
    %scan3A_10 = arith.constant 0 : i32
    %scan3A_11 = arith.constant 9 : i32
    %scan3A_12 = arith.addi %scan3A_10, %scan3A_11 : i32
    %scan3A_13 = arith.constant 1 : i32
    scf.for %scan3A_60 = %scan3A_10 to %scan3A_12 step %scan3A_13  : i32 {
      %mul3A_61 = arith.constant 64 : i32
      %mul3A_62 = arith.muli %scan3A_60, %mul3A_61 : i32
      %add3A_63 = arith.addi %mul3A_6, %mul3A_62 : i32
      "tpu.region"() ({
        %run_scoped3A_64 = tpu.sem_alloc : memref<!tpu.dma_semaphore, #tpu.memory_space<semaphore_mem>>
        %dma_start3A = arith.constant 0 : i32
        %dma_start3A_65 = tpu.memref_slice %arg9[%add3A_63, %dma_start3A] : memref<10016x64xf32, #tpu.memory_space<vmem_shared>> -> memref<64x64xf32, #tpu.memory_space<vmem_shared>>
        %dma_start3A_66 = arith.constant 0 : i32
        %dma_start3A_67 = tpu.memref_slice %arg9[%add3A_63, %dma_start3A_66] : memref<10016x64xf32, #tpu.memory_space<vmem_shared>> -> memref<64x64xf32, #tpu.memory_space<vmem_shared>>
        tpu.enqueue_dma source(%arg8 : memref<64x64xf32, #tpu.memory_space<vmem>>) target(%dma_start3A_67 : memref<64x64xf32, #tpu.memory_space<vmem_shared>>) target_semaphore(%run_scoped3A_64 : memref<!tpu.dma_semaphore, #tpu.memory_space<semaphore_mem>>)
        %dma_wait3A = arith.constant 0 : i32
        %dma_wait3A_68 = tpu.memref_slice %arg9[%add3A_63, %dma_wait3A] : memref<10016x64xf32, #tpu.memory_space<vmem_shared>> -> memref<64x64xf32, #tpu.memory_space<vmem_shared>>
        %dma_wait3A_69 = arith.constant 0 : i32
        %dma_wait3A_70 = tpu.memref_slice %arg9[%add3A_63, %dma_wait3A_69] : memref<10016x64xf32, #tpu.memory_space<vmem_shared>> -> memref<64x64xf32, #tpu.memory_space<vmem_shared>>
        tpu.wait_dma2 semaphore(%run_scoped3A_64 : memref<!tpu.dma_semaphore, #tpu.memory_space<semaphore_mem>>) src(%arg8 : memref<64x64xf32, #tpu.memory_space<vmem>>) dst(%dma_wait3A_70 : memref<64x64xf32, #tpu.memory_space<vmem_shared>>)
        tpu.yield
      }) : () -> ()
    }
    %scan3A_14 = arith.constant 9 : i32
    %add3A = arith.constant 576 : i32
    %add3A_15 = arith.addi %mul3A_6, %add3A : i32
    "tpu.region"() ({
      %run_scoped3A_60 = tpu.sem_alloc : memref<!tpu.dma_semaphore, #tpu.memory_space<semaphore_mem>>
      %dma_start3A = arith.constant 0 : i32
      %dma_start3A_61 = arith.constant 0 : i32
      %dma_start3A_62 = tpu.memref_slice %arg8[%dma_start3A, %dma_start3A_61] : memref<64x64xf32, #tpu.memory_space<vmem>> -> memref<48x64xf32, #tpu.memory_space<vmem>>
      %dma_start3A_63 = arith.constant 0 : i32
      %dma_start3A_64 = tpu.memref_slice %arg9[%add3A_15, %dma_start3A_63] : memref<10016x64xf32, #tpu.memory_space<vmem_shared>> -> memref<48x64xf32, #tpu.memory_space<vmem_shared>>
      %dma_start3A_65 = arith.constant 0 : i32
      %dma_start3A_66 = tpu.memref_slice %arg9[%add3A_15, %dma_start3A_65] : memref<10016x64xf32, #tpu.memory_space<vmem_shared>> -> memref<48x64xf32, #tpu.memory_space<vmem_shared>>
      %dma_start3A_67 = arith.constant 0 : i32
      %dma_start3A_68 = arith.constant 0 : i32
      %dma_start3A_69 = tpu.memref_slice %arg8[%dma_start3A_67, %dma_start3A_68] : memref<64x64xf32, #tpu.memory_space<vmem>> -> memref<48x64xf32, #tpu.memory_space<vmem>>
      tpu.enqueue_dma source(%dma_start3A_69 : memref<48x64xf32, #tpu.memory_space<vmem>>) target(%dma_start3A_66 : memref<48x64xf32, #tpu.memory_space<vmem_shared>>) target_semaphore(%run_scoped3A_60 : memref<!tpu.dma_semaphore, #tpu.memory_space<semaphore_mem>>)
      %dma_wait3A = arith.constant 0 : i32
      %dma_wait3A_70 = arith.constant 0 : i32
      %dma_wait3A_71 = tpu.memref_slice %arg8[%dma_wait3A, %dma_wait3A_70] : memref<64x64xf32, #tpu.memory_space<vmem>> -> memref<48x64xf32, #tpu.memory_space<vmem>>
      %dma_wait3A_72 = arith.constant 0 : i32
      %dma_wait3A_73 = tpu.memref_slice %arg9[%add3A_15, %dma_wait3A_72] : memref<10016x64xf32, #tpu.memory_space<vmem_shared>> -> memref<48x64xf32, #tpu.memory_space<vmem_shared>>
      %dma_wait3A_74 = arith.constant 0 : i32
      %dma_wait3A_75 = tpu.memref_slice %arg9[%add3A_15, %dma_wait3A_74] : memref<10016x64xf32, #tpu.memory_space<vmem_shared>> -> memref<48x64xf32, #tpu.memory_space<vmem_shared>>
      %dma_wait3A_76 = arith.constant 0 : i32
      %dma_wait3A_77 = arith.constant 0 : i32
      %dma_wait3A_78 = tpu.memref_slice %arg8[%dma_wait3A_76, %dma_wait3A_77] : memref<64x64xf32, #tpu.memory_space<vmem>> -> memref<48x64xf32, #tpu.memory_space<vmem>>
      tpu.wait_dma2 semaphore(%run_scoped3A_60 : memref<!tpu.dma_semaphore, #tpu.memory_space<semaphore_mem>>) src(%dma_wait3A_78 : memref<48x64xf32, #tpu.memory_space<vmem>>) dst(%dma_wait3A_75 : memref<48x64xf32, #tpu.memory_space<vmem_shared>>)
      tpu.yield
    }) : () -> ()
    %eq3A = arith.constant 15 : i32
    %eq3A_16 = arith.cmpi eq, %arg1, %eq3A : i32
    %convert_element_type3A = arith.extui %eq3A_16 : i1 to i32
    %cond3A = arith.constant 0 : i32
    %cond3A_17 = arith.cmpi ne, %convert_element_type3A, %cond3A : i32
    scf.if %cond3A_17 {
      "tpu.region"() ({
        %run_scoped3A_60 = tpu.sem_alloc : memref<!tpu.dma_semaphore, #tpu.memory_space<semaphore_mem>>
        %dma_start3A = arith.constant 0 : i32
        %dma_start3A_61 = arith.constant 0 : i32
        %dma_start3A_62 = tpu.memref_slice %arg8[%dma_start3A, %dma_start3A_61] : memref<64x64xf32, #tpu.memory_space<vmem>> -> memref<32x64xf32, #tpu.memory_space<vmem>>
        %dma_start3A_63 = arith.constant 9984 : i32
        %dma_start3A_64 = arith.constant 0 : i32
        %dma_start3A_65 = tpu.memref_slice %arg9[%dma_start3A_63, %dma_start3A_64] : memref<10016x64xf32, #tpu.memory_space<vmem_shared>> -> memref<32x64xf32, #tpu.memory_space<vmem_shared>>
        %dma_start3A_66 = arith.constant 9984 : i32
        %dma_start3A_67 = arith.constant 0 : i32
        %dma_start3A_68 = tpu.memref_slice %arg9[%dma_start3A_66, %dma_start3A_67] : memref<10016x64xf32, #tpu.memory_space<vmem_shared>> -> memref<32x64xf32, #tpu.memory_space<vmem_shared>>
        %dma_start3A_69 = arith.constant 0 : i32
        %dma_start3A_70 = arith.constant 0 : i32
        %dma_start3A_71 = tpu.memref_slice %arg8[%dma_start3A_69, %dma_start3A_70] : memref<64x64xf32, #tpu.memory_space<vmem>> -> memref<32x64xf32, #tpu.memory_space<vmem>>
        tpu.enqueue_dma source(%dma_start3A_71 : memref<32x64xf32, #tpu.memory_space<vmem>>) target(%dma_start3A_68 : memref<32x64xf32, #tpu.memory_space<vmem_shared>>) target_semaphore(%run_scoped3A_60 : memref<!tpu.dma_semaphore, #tpu.memory_space<semaphore_mem>>)
        %dma_wait3A = arith.constant 0 : i32
        %dma_wait3A_72 = arith.constant 0 : i32
        %dma_wait3A_73 = tpu.memref_slice %arg8[%dma_wait3A, %dma_wait3A_72] : memref<64x64xf32, #tpu.memory_space<vmem>> -> memref<32x64xf32, #tpu.memory_space<vmem>>
        %dma_wait3A_74 = arith.constant 9984 : i32
        %dma_wait3A_75 = arith.constant 0 : i32
        %dma_wait3A_76 = tpu.memref_slice %arg9[%dma_wait3A_74, %dma_wait3A_75] : memref<10016x64xf32, #tpu.memory_space<vmem_shared>> -> memref<32x64xf32, #tpu.memory_space<vmem_shared>>
        %dma_wait3A_77 = arith.constant 9984 : i32
        %dma_wait3A_78 = arith.constant 0 : i32
        %dma_wait3A_79 = tpu.memref_slice %arg9[%dma_wait3A_77, %dma_wait3A_78] : memref<10016x64xf32, #tpu.memory_space<vmem_shared>> -> memref<32x64xf32, #tpu.memory_space<vmem_shared>>
        %dma_wait3A_80 = arith.constant 0 : i32
        %dma_wait3A_81 = arith.constant 0 : i32
        %dma_wait3A_82 = tpu.memref_slice %arg8[%dma_wait3A_80, %dma_wait3A_81] : memref<64x64xf32, #tpu.memory_space<vmem>> -> memref<32x64xf32, #tpu.memory_space<vmem>>
        tpu.wait_dma2 semaphore(%run_scoped3A_60 : memref<!tpu.dma_semaphore, #tpu.memory_space<semaphore_mem>>) src(%dma_wait3A_82 : memref<32x64xf32, #tpu.memory_space<vmem>>) dst(%dma_wait3A_79 : memref<32x64xf32, #tpu.memory_space<vmem_shared>>)
        tpu.yield
      }) : () -> ()
    } else {
    }
    %barrier3A = arith.constant 0 : index
    tpu.barrier barrier_id(%barrier3A)
    %scan3A_18 = arith.constant 0 : i32
    %scan3A_19 = arith.constant 0 : i32
    %scan3A_20 = arith.constant 157 : i32
    %scan3A_21 = arith.addi %scan3A_19, %scan3A_20 : i32
    %scan3A_22 = arith.constant 1 : i32
    scf.for %scan3A_60 = %scan3A_19 to %scan3A_21 step %scan3A_22  : i32 {
      %dma_start3A = arith.constant 0 : i32
      %dma_start3A_61 = arith.constant 0 : i32
      %dma_start3A_62 = tpu.memref_slice %arg6[%scan3A_60, %dma_start3A_61] : memref<157x128xi32, #tpu.memory_space<vmem>> -> memref<1x128xi32, #tpu.memory_space<vmem>>
      %dma_start3A_63 = tpu.memref_squeeze %dma_start3A_62 : memref<1x128xi32, #tpu.memory_space<vmem>> -> memref<128xi32, #tpu.memory_space<vmem>>
      %dma_start3A_64 = arith.constant 0 : i32
      %dma_start3A_65 = arith.constant 0 : i32
      %dma_start3A_66 = tpu.memref_slice %arg2[%dma_start3A, %dma_start3A_64, %dma_start3A_65] : memref<2x10000x64xf32, #tpu.memory_space<hbm>> -> memref<1x10000x64xf32, #tpu.memory_space<hbm>>
      %dma_start3A_67 = tpu.memref_squeeze %dma_start3A_66 : memref<1x10000x64xf32, #tpu.memory_space<hbm>> -> memref<10000x64xf32, #tpu.memory_space<hbm>>
      %dma_start3A_68 = arith.constant 0 : i32
      %dma_start3A_69 = arith.constant 0 : i32
      %dma_start3A_70 = tpu.memref_slice %dma_start3A_67[%dma_start3A_68, %dma_start3A_69] : memref<10000x64xf32, #tpu.memory_space<hbm>> -> memref<10000x64xf32, #tpu.memory_space<hbm>>
      tpu.enqueue_indirect_dma source(%dma_start3A_70 : memref<10000x64xf32, #tpu.memory_space<hbm>>) target(%arg7 : memref<128x64xf32, #tpu.memory_space<vmem>>) offsets(%dma_start3A_63 : memref<128xi32, #tpu.memory_space<vmem>>) semaphore(%arg10 : memref<!tpu.dma_semaphore, #tpu.memory_space<semaphore_mem>>)
      %dma_wait3A = arith.constant 0 : i32
      %dma_wait3A_71 = arith.constant 0 : i32
      %dma_wait3A_72 = tpu.memref_slice %arg6[%scan3A_60, %dma_wait3A_71] : memref<157x128xi32, #tpu.memory_space<vmem>> -> memref<1x128xi32, #tpu.memory_space<vmem>>
      %dma_wait3A_73 = tpu.memref_squeeze %dma_wait3A_72 : memref<1x128xi32, #tpu.memory_space<vmem>> -> memref<128xi32, #tpu.memory_space<vmem>>
      %dma_wait3A_74 = arith.constant 0 : i32
      %dma_wait3A_75 = arith.constant 0 : i32
      %dma_wait3A_76 = tpu.memref_slice %arg2[%dma_wait3A, %dma_wait3A_74, %dma_wait3A_75] : memref<2x10000x64xf32, #tpu.memory_space<hbm>> -> memref<1x10000x64xf32, #tpu.memory_space<hbm>>
      %dma_wait3A_77 = tpu.memref_squeeze %dma_wait3A_76 : memref<1x10000x64xf32, #tpu.memory_space<hbm>> -> memref<10000x64xf32, #tpu.memory_space<hbm>>
      %dma_wait3A_78 = arith.constant 0 : i32
      %dma_wait3A_79 = arith.constant 0 : i32
      %dma_wait3A_80 = tpu.memref_slice %dma_wait3A_77[%dma_wait3A_78, %dma_wait3A_79] : memref<10000x64xf32, #tpu.memory_space<hbm>> -> memref<10000x64xf32, #tpu.memory_space<hbm>>
      tpu.wait_indirect_dma semaphore(%arg10 : memref<!tpu.dma_semaphore, #tpu.memory_space<semaphore_mem>>) src(%dma_wait3A_80 : memref<10000x64xf32, #tpu.memory_space<hbm>>) dst(%arg7 : memref<128x64xf32, #tpu.memory_space<vmem>>)
      "tpu.region"() ({
        %run_scoped3A_81 = tpu.sem_alloc : memref<!tpu.dma_semaphore, #tpu.memory_space<semaphore_mem>>
        %dma_start3A_82 = arith.constant 0 : i32
        %dma_start3A_83 = tpu.memref_slice %arg5[%scan3A_60, %dma_start3A_82] : memref<157x128xi32, #tpu.memory_space<vmem>> -> memref<1x128xi32, #tpu.memory_space<vmem>>
        %dma_start3A_84 = tpu.memref_squeeze %dma_start3A_83 : memref<1x128xi32, #tpu.memory_space<vmem>> -> memref<128xi32, #tpu.memory_space<vmem>>
        %dma_start3A_85 = arith.constant 0 : i32
        %dma_start3A_86 = arith.constant 0 : i32
        %dma_start3A_87 = tpu.memref_slice %arg9[%dma_start3A_85, %dma_start3A_86] : memref<10016x64xf32, #tpu.memory_space<vmem_shared>> -> memref<10016x64xf32, #tpu.memory_space<vmem_shared>>
        tpu.enqueue_indirect_dma source(%arg7 : memref<128x64xf32, #tpu.memory_space<vmem>>) target(%dma_start3A_87 : memref<10016x64xf32, #tpu.memory_space<vmem_shared>>) offsets(%dma_start3A_84 : memref<128xi32, #tpu.memory_space<vmem>>) semaphore(%run_scoped3A_81 : memref<!tpu.dma_semaphore, #tpu.memory_space<semaphore_mem>>) {add = true}
        %dma_wait3A_88 = arith.constant 0 : i32
        %dma_wait3A_89 = tpu.memref_slice %arg5[%scan3A_60, %dma_wait3A_88] : memref<157x128xi32, #tpu.memory_space<vmem>> -> memref<1x128xi32, #tpu.memory_space<vmem>>
        %dma_wait3A_90 = tpu.memref_squeeze %dma_wait3A_89 : memref<1x128xi32, #tpu.memory_space<vmem>> -> memref<128xi32, #tpu.memory_space<vmem>>
        %dma_wait3A_91 = arith.constant 0 : i32
        %dma_wait3A_92 = arith.constant 0 : i32
        %dma_wait3A_93 = tpu.memref_slice %arg9[%dma_wait3A_91, %dma_wait3A_92] : memref<10016x64xf32, #tpu.memory_space<vmem_shared>> -> memref<10016x64xf32, #tpu.memory_space<vmem_shared>>
        tpu.wait_indirect_dma semaphore(%run_scoped3A_81 : memref<!tpu.dma_semaphore, #tpu.memory_space<semaphore_mem>>) src(%arg7 : memref<128x64xf32, #tpu.memory_space<vmem>>) dst(%dma_wait3A_93 : memref<10016x64xf32, #tpu.memory_space<vmem_shared>>)
        tpu.yield
      }) : () -> ()
    }
    %scan3A_23 = arith.constant 157 : i32
    %barrier3A_24 = arith.constant 0 : index
    tpu.barrier barrier_id(%barrier3A_24)
    %run_scoped3A_25 = arith.constant 0 : i32
    "tpu.region"() ({
      %run_scoped3A_60 = tpu.sem_alloc : memref<!tpu.dma_semaphore, #tpu.memory_space<semaphore_mem>>
      %dma_start3A = arith.constant 0 : i32
      %dma_start3A_61 = arith.constant 0 : i32
      %dma_start3A_62 = tpu.memref_slice %arg4[%arg0, %run_scoped3A_25, %dma_start3A, %dma_start3A_61] : memref<2x2x10000x64xf32, #tpu.memory_space<hbm>> -> memref<1x1x10000x64xf32, #tpu.memory_space<hbm>>
      %dma_start3A_63 = tpu.memref_squeeze %dma_start3A_62 : memref<1x1x10000x64xf32, #tpu.memory_space<hbm>> -> memref<10000x64xf32, #tpu.memory_space<hbm>>
      %dma_start3A_64 = arith.constant 0 : i32
      %dma_start3A_65 = tpu.memref_slice %dma_start3A_63[%mul3A_8, %dma_start3A_64] : memref<10000x64xf32, #tpu.memory_space<hbm>> -> memref<624x64xf32, #tpu.memory_space<hbm>>
      %dma_start3A_66 = arith.constant 0 : i32
      %dma_start3A_67 = tpu.memref_slice %arg9[%mul3A_8, %dma_start3A_66] : memref<10016x64xf32, #tpu.memory_space<vmem_shared>> -> memref<624x64xf32, #tpu.memory_space<vmem_shared>>
      tpu.enqueue_dma source(%dma_start3A_67 : memref<624x64xf32, #tpu.memory_space<vmem_shared>>) target(%dma_start3A_65 : memref<624x64xf32, #tpu.memory_space<hbm>>) target_semaphore(%run_scoped3A_60 : memref<!tpu.dma_semaphore, #tpu.memory_space<semaphore_mem>>)
      %dma_wait3A = arith.constant 0 : i32
      %dma_wait3A_68 = arith.constant 0 : i32
      %dma_wait3A_69 = tpu.memref_slice %arg4[%arg0, %run_scoped3A_25, %dma_wait3A, %dma_wait3A_68] : memref<2x2x10000x64xf32, #tpu.memory_space<hbm>> -> memref<1x1x10000x64xf32, #tpu.memory_space<hbm>>
      %dma_wait3A_70 = tpu.memref_squeeze %dma_wait3A_69 : memref<1x1x10000x64xf32, #tpu.memory_space<hbm>> -> memref<10000x64xf32, #tpu.memory_space<hbm>>
      %dma_wait3A_71 = arith.constant 0 : i32
      %dma_wait3A_72 = tpu.memref_slice %dma_wait3A_70[%mul3A_8, %dma_wait3A_71] : memref<10000x64xf32, #tpu.memory_space<hbm>> -> memref<624x64xf32, #tpu.memory_space<hbm>>
      %dma_wait3A_73 = arith.constant 0 : i32
      %dma_wait3A_74 = tpu.memref_slice %arg9[%mul3A_8, %dma_wait3A_73] : memref<10016x64xf32, #tpu.memory_space<vmem_shared>> -> memref<624x64xf32, #tpu.memory_space<vmem_shared>>
      tpu.wait_dma2 semaphore(%run_scoped3A_60 : memref<!tpu.dma_semaphore, #tpu.memory_space<semaphore_mem>>) src(%dma_wait3A_74 : memref<624x64xf32, #tpu.memory_space<vmem_shared>>) dst(%dma_wait3A_72 : memref<624x64xf32, #tpu.memory_space<hbm>>)
      tpu.yield
    }) : () -> ()
    %eq3A_26 = arith.constant 15 : i32
    %eq3A_27 = arith.cmpi eq, %arg1, %eq3A_26 : i32
    %convert_element_type3A_28 = arith.extui %eq3A_27 : i1 to i32
    %cond3A_29 = arith.constant 0 : i32
    %cond3A_30 = arith.cmpi ne, %convert_element_type3A_28, %cond3A_29 : i32
    scf.if %cond3A_30 {
      %run_scoped3A_60 = arith.constant 0 : i32
      "tpu.region"() ({
        %run_scoped3A_61 = tpu.sem_alloc : memref<!tpu.dma_semaphore, #tpu.memory_space<semaphore_mem>>
        %dma_start3A = arith.constant 0 : i32
        %dma_start3A_62 = arith.constant 0 : i32
        %dma_start3A_63 = tpu.memref_slice %arg4[%arg0, %run_scoped3A_60, %dma_start3A, %dma_start3A_62] : memref<2x2x10000x64xf32, #tpu.memory_space<hbm>> -> memref<1x1x10000x64xf32, #tpu.memory_space<hbm>>
        %dma_start3A_64 = tpu.memref_squeeze %dma_start3A_63 : memref<1x1x10000x64xf32, #tpu.memory_space<hbm>> -> memref<10000x64xf32, #tpu.memory_space<hbm>>
        %dma_start3A_65 = arith.constant 9984 : i32
        %dma_start3A_66 = arith.constant 0 : i32
        %dma_start3A_67 = tpu.memref_slice %dma_start3A_64[%dma_start3A_65, %dma_start3A_66] : memref<10000x64xf32, #tpu.memory_space<hbm>> -> memref<16x64xf32, #tpu.memory_space<hbm>>
        %dma_start3A_68 = arith.constant 9984 : i32
        %dma_start3A_69 = arith.constant 0 : i32
        %dma_start3A_70 = tpu.memref_slice %arg9[%dma_start3A_68, %dma_start3A_69] : memref<10016x64xf32, #tpu.memory_space<vmem_shared>> -> memref<16x64xf32, #tpu.memory_space<vmem_shared>>
        tpu.enqueue_dma source(%dma_start3A_70 : memref<16x64xf32, #tpu.memory_space<vmem_shared>>) target(%dma_start3A_67 : memref<16x64xf32, #tpu.memory_space<hbm>>) target_semaphore(%run_scoped3A_61 : memref<!tpu.dma_semaphore, #tpu.memory_space<semaphore_mem>>)
        %dma_wait3A = arith.constant 0 : i32
        %dma_wait3A_71 = arith.constant 0 : i32
        %dma_wait3A_72 = tpu.memref_slice %arg4[%arg0, %run_scoped3A_60, %dma_wait3A, %dma_wait3A_71] : memref<2x2x10000x64xf32, #tpu.memory_space<hbm>> -> memref<1x1x10000x64xf32, #tpu.memory_space<hbm>>
        %dma_wait3A_73 = tpu.memref_squeeze %dma_wait3A_72 : memref<1x1x10000x64xf32, #tpu.memory_space<hbm>> -> memref<10000x64xf32, #tpu.memory_space<hbm>>
        %dma_wait3A_74 = arith.constant 9984 : i32
        %dma_wait3A_75 = arith.constant 0 : i32
        %dma_wait3A_76 = tpu.memref_slice %dma_wait3A_73[%dma_wait3A_74, %dma_wait3A_75] : memref<10000x64xf32, #tpu.memory_space<hbm>> -> memref<16x64xf32, #tpu.memory_space<hbm>>
        %dma_wait3A_77 = arith.constant 9984 : i32
        %dma_wait3A_78 = arith.constant 0 : i32
        %dma_wait3A_79 = tpu.memref_slice %arg9[%dma_wait3A_77, %dma_wait3A_78] : memref<10016x64xf32, #tpu.memory_space<vmem_shared>> -> memref<16x64xf32, #tpu.memory_space<vmem_shared>>
        tpu.wait_dma2 semaphore(%run_scoped3A_61 : memref<!tpu.dma_semaphore, #tpu.memory_space<semaphore_mem>>) src(%dma_wait3A_79 : memref<16x64xf32, #tpu.memory_space<vmem_shared>>) dst(%dma_wait3A_76 : memref<16x64xf32, #tpu.memory_space<hbm>>)
        tpu.yield
      }) : () -> ()
    } else {
    }
    %barrier3A_31 = arith.constant 0 : index
    tpu.barrier barrier_id(%barrier3A_31)
    %scan3A_32 = arith.constant 0 : i32
    %scan3A_33 = arith.constant 0 : i32
    %scan3A_34 = arith.constant 9 : i32
    %scan3A_35 = arith.addi %scan3A_33, %scan3A_34 : i32
    %scan3A_36 = arith.constant 1 : i32
    scf.for %scan3A_60 = %scan3A_33 to %scan3A_35 step %scan3A_36  : i32 {
      %mul3A_61 = arith.constant 64 : i32
      %mul3A_62 = arith.muli %scan3A_60, %mul3A_61 : i32
      %add3A_63 = arith.addi %mul3A_6, %mul3A_62 : i32
      "tpu.region"() ({
        %run_scoped3A_64 = tpu.sem_alloc : memref<!tpu.dma_semaphore, #tpu.memory_space<semaphore_mem>>
        %dma_start3A = arith.constant 0 : i32
        %dma_start3A_65 = tpu.memref_slice %arg9[%add3A_63, %dma_start3A] : memref<10016x64xf32, #tpu.memory_space<vmem_shared>> -> memref<64x64xf32, #tpu.memory_space<vmem_shared>>
        %dma_start3A_66 = arith.constant 0 : i32
        %dma_start3A_67 = tpu.memref_slice %arg9[%add3A_63, %dma_start3A_66] : memref<10016x64xf32, #tpu.memory_space<vmem_shared>> -> memref<64x64xf32, #tpu.memory_space<vmem_shared>>
        tpu.enqueue_dma source(%arg8 : memref<64x64xf32, #tpu.memory_space<vmem>>) target(%dma_start3A_67 : memref<64x64xf32, #tpu.memory_space<vmem_shared>>) target_semaphore(%run_scoped3A_64 : memref<!tpu.dma_semaphore, #tpu.memory_space<semaphore_mem>>)
        %dma_wait3A = arith.constant 0 : i32
        %dma_wait3A_68 = tpu.memref_slice %arg9[%add3A_63, %dma_wait3A] : memref<10016x64xf32, #tpu.memory_space<vmem_shared>> -> memref<64x64xf32, #tpu.memory_space<vmem_shared>>
        %dma_wait3A_69 = arith.constant 0 : i32
        %dma_wait3A_70 = tpu.memref_slice %arg9[%add3A_63, %dma_wait3A_69] : memref<10016x64xf32, #tpu.memory_space<vmem_shared>> -> memref<64x64xf32, #tpu.memory_space<vmem_shared>>
        tpu.wait_dma2 semaphore(%run_scoped3A_64 : memref<!tpu.dma_semaphore, #tpu.memory_space<semaphore_mem>>) src(%arg8 : memref<64x64xf32, #tpu.memory_space<vmem>>) dst(%dma_wait3A_70 : memref<64x64xf32, #tpu.memory_space<vmem_shared>>)
        tpu.yield
      }) : () -> ()
    }
    %scan3A_37 = arith.constant 9 : i32
    %add3A_38 = arith.constant 576 : i32
    %add3A_39 = arith.addi %mul3A_6, %add3A_38 : i32
    "tpu.region"() ({
      %run_scoped3A_60 = tpu.sem_alloc : memref<!tpu.dma_semaphore, #tpu.memory_space<semaphore_mem>>
      %dma_start3A = arith.constant 0 : i32
      %dma_start3A_61 = arith.constant 0 : i32
      %dma_start3A_62 = tpu.memref_slice %arg8[%dma_start3A, %dma_start3A_61] : memref<64x64xf32, #tpu.memory_space<vmem>> -> memref<48x64xf32, #tpu.memory_space<vmem>>
      %dma_start3A_63 = arith.constant 0 : i32
      %dma_start3A_64 = tpu.memref_slice %arg9[%add3A_39, %dma_start3A_63] : memref<10016x64xf32, #tpu.memory_space<vmem_shared>> -> memref<48x64xf32, #tpu.memory_space<vmem_shared>>
      %dma_start3A_65 = arith.constant 0 : i32
      %dma_start3A_66 = tpu.memref_slice %arg9[%add3A_39, %dma_start3A_65] : memref<10016x64xf32, #tpu.memory_space<vmem_shared>> -> memref<48x64xf32, #tpu.memory_space<vmem_shared>>
      %dma_start3A_67 = arith.constant 0 : i32
      %dma_start3A_68 = arith.constant 0 : i32
      %dma_start3A_69 = tpu.memref_slice %arg8[%dma_start3A_67, %dma_start3A_68] : memref<64x64xf32, #tpu.memory_space<vmem>> -> memref<48x64xf32, #tpu.memory_space<vmem>>
      tpu.enqueue_dma source(%dma_start3A_69 : memref<48x64xf32, #tpu.memory_space<vmem>>) target(%dma_start3A_66 : memref<48x64xf32, #tpu.memory_space<vmem_shared>>) target_semaphore(%run_scoped3A_60 : memref<!tpu.dma_semaphore, #tpu.memory_space<semaphore_mem>>)
      %dma_wait3A = arith.constant 0 : i32
      %dma_wait3A_70 = arith.constant 0 : i32
      %dma_wait3A_71 = tpu.memref_slice %arg8[%dma_wait3A, %dma_wait3A_70] : memref<64x64xf32, #tpu.memory_space<vmem>> -> memref<48x64xf32, #tpu.memory_space<vmem>>
      %dma_wait3A_72 = arith.constant 0 : i32
      %dma_wait3A_73 = tpu.memref_slice %arg9[%add3A_39, %dma_wait3A_72] : memref<10016x64xf32, #tpu.memory_space<vmem_shared>> -> memref<48x64xf32, #tpu.memory_space<vmem_shared>>
      %dma_wait3A_74 = arith.constant 0 : i32
      %dma_wait3A_75 = tpu.memref_slice %arg9[%add3A_39, %dma_wait3A_74] : memref<10016x64xf32, #tpu.memory_space<vmem_shared>> -> memref<48x64xf32, #tpu.memory_space<vmem_shared>>
      %dma_wait3A_76 = arith.constant 0 : i32
      %dma_wait3A_77 = arith.constant 0 : i32
      %dma_wait3A_78 = tpu.memref_slice %arg8[%dma_wait3A_76, %dma_wait3A_77] : memref<64x64xf32, #tpu.memory_space<vmem>> -> memref<48x64xf32, #tpu.memory_space<vmem>>
      tpu.wait_dma2 semaphore(%run_scoped3A_60 : memref<!tpu.dma_semaphore, #tpu.memory_space<semaphore_mem>>) src(%dma_wait3A_78 : memref<48x64xf32, #tpu.memory_space<vmem>>) dst(%dma_wait3A_75 : memref<48x64xf32, #tpu.memory_space<vmem_shared>>)
      tpu.yield
    }) : () -> ()
    %eq3A_40 = arith.constant 15 : i32
    %eq3A_41 = arith.cmpi eq, %arg1, %eq3A_40 : i32
    %convert_element_type3A_42 = arith.extui %eq3A_41 : i1 to i32
    %cond3A_43 = arith.constant 0 : i32
    %cond3A_44 = arith.cmpi ne, %convert_element_type3A_42, %cond3A_43 : i32
    scf.if %cond3A_44 {
      "tpu.region"() ({
        %run_scoped3A_60 = tpu.sem_alloc : memref<!tpu.dma_semaphore, #tpu.memory_space<semaphore_mem>>
        %dma_start3A = arith.constant 0 : i32
        %dma_start3A_61 = arith.constant 0 : i32
        %dma_start3A_62 = tpu.memref_slice %arg8[%dma_start3A, %dma_start3A_61] : memref<64x64xf32, #tpu.memory_space<vmem>> -> memref<32x64xf32, #tpu.memory_space<vmem>>
        %dma_start3A_63 = arith.constant 9984 : i32
        %dma_start3A_64 = arith.constant 0 : i32
        %dma_start3A_65 = tpu.memref_slice %arg9[%dma_start3A_63, %dma_start3A_64] : memref<10016x64xf32, #tpu.memory_space<vmem_shared>> -> memref<32x64xf32, #tpu.memory_space<vmem_shared>>
        %dma_start3A_66 = arith.constant 9984 : i32
        %dma_start3A_67 = arith.constant 0 : i32
        %dma_start3A_68 = tpu.memref_slice %arg9[%dma_start3A_66, %dma_start3A_67] : memref<10016x64xf32, #tpu.memory_space<vmem_shared>> -> memref<32x64xf32, #tpu.memory_space<vmem_shared>>
        %dma_start3A_69 = arith.constant 0 : i32
        %dma_start3A_70 = arith.constant 0 : i32
        %dma_start3A_71 = tpu.memref_slice %arg8[%dma_start3A_69, %dma_start3A_70] : memref<64x64xf32, #tpu.memory_space<vmem>> -> memref<32x64xf32, #tpu.memory_space<vmem>>
        tpu.enqueue_dma source(%dma_start3A_71 : memref<32x64xf32, #tpu.memory_space<vmem>>) target(%dma_start3A_68 : memref<32x64xf32, #tpu.memory_space<vmem_shared>>) target_semaphore(%run_scoped3A_60 : memref<!tpu.dma_semaphore, #tpu.memory_space<semaphore_mem>>)
        %dma_wait3A = arith.constant 0 : i32
        %dma_wait3A_72 = arith.constant 0 : i32
        %dma_wait3A_73 = tpu.memref_slice %arg8[%dma_wait3A, %dma_wait3A_72] : memref<64x64xf32, #tpu.memory_space<vmem>> -> memref<32x64xf32, #tpu.memory_space<vmem>>
        %dma_wait3A_74 = arith.constant 9984 : i32
        %dma_wait3A_75 = arith.constant 0 : i32
        %dma_wait3A_76 = tpu.memref_slice %arg9[%dma_wait3A_74, %dma_wait3A_75] : memref<10016x64xf32, #tpu.memory_space<vmem_shared>> -> memref<32x64xf32, #tpu.memory_space<vmem_shared>>
        %dma_wait3A_77 = arith.constant 9984 : i32
        %dma_wait3A_78 = arith.constant 0 : i32
        %dma_wait3A_79 = tpu.memref_slice %arg9[%dma_wait3A_77, %dma_wait3A_78] : memref<10016x64xf32, #tpu.memory_space<vmem_shared>> -> memref<32x64xf32, #tpu.memory_space<vmem_shared>>
        %dma_wait3A_80 = arith.constant 0 : i32
        %dma_wait3A_81 = arith.constant 0 : i32
        %dma_wait3A_82 = tpu.memref_slice %arg8[%dma_wait3A_80, %dma_wait3A_81] : memref<64x64xf32, #tpu.memory_space<vmem>> -> memref<32x64xf32, #tpu.memory_space<vmem>>
        tpu.wait_dma2 semaphore(%run_scoped3A_60 : memref<!tpu.dma_semaphore, #tpu.memory_space<semaphore_mem>>) src(%dma_wait3A_82 : memref<32x64xf32, #tpu.memory_space<vmem>>) dst(%dma_wait3A_79 : memref<32x64xf32, #tpu.memory_space<vmem_shared>>)
        tpu.yield
      }) : () -> ()
    } else {
    }
    %barrier3A_45 = arith.constant 0 : index
    tpu.barrier barrier_id(%barrier3A_45)
    %scan3A_46 = arith.constant 0 : i32
    %scan3A_47 = arith.constant 0 : i32
    %scan3A_48 = arith.constant 157 : i32
    %scan3A_49 = arith.addi %scan3A_47, %scan3A_48 : i32
    %scan3A_50 = arith.constant 1 : i32
    scf.for %scan3A_60 = %scan3A_47 to %scan3A_49 step %scan3A_50  : i32 {
      %dma_start3A = arith.constant 1 : i32
      %dma_start3A_61 = arith.constant 0 : i32
      %dma_start3A_62 = tpu.memref_slice %arg6[%scan3A_60, %dma_start3A_61] : memref<157x128xi32, #tpu.memory_space<vmem>> -> memref<1x128xi32, #tpu.memory_space<vmem>>
      %dma_start3A_63 = tpu.memref_squeeze %dma_start3A_62 : memref<1x128xi32, #tpu.memory_space<vmem>> -> memref<128xi32, #tpu.memory_space<vmem>>
      %dma_start3A_64 = arith.constant 0 : i32
      %dma_start3A_65 = arith.constant 0 : i32
      %dma_start3A_66 = tpu.memref_slice %arg2[%dma_start3A, %dma_start3A_64, %dma_start3A_65] : memref<2x10000x64xf32, #tpu.memory_space<hbm>> -> memref<1x10000x64xf32, #tpu.memory_space<hbm>>
      %dma_start3A_67 = tpu.memref_squeeze %dma_start3A_66 : memref<1x10000x64xf32, #tpu.memory_space<hbm>> -> memref<10000x64xf32, #tpu.memory_space<hbm>>
      %dma_start3A_68 = arith.constant 0 : i32
      %dma_start3A_69 = arith.constant 0 : i32
      %dma_start3A_70 = tpu.memref_slice %dma_start3A_67[%dma_start3A_68, %dma_start3A_69] : memref<10000x64xf32, #tpu.memory_space<hbm>> -> memref<10000x64xf32, #tpu.memory_space<hbm>>
      tpu.enqueue_indirect_dma source(%dma_start3A_70 : memref<10000x64xf32, #tpu.memory_space<hbm>>) target(%arg7 : memref<128x64xf32, #tpu.memory_space<vmem>>) offsets(%dma_start3A_63 : memref<128xi32, #tpu.memory_space<vmem>>) semaphore(%arg10 : memref<!tpu.dma_semaphore, #tpu.memory_space<semaphore_mem>>)
      %dma_wait3A = arith.constant 1 : i32
      %dma_wait3A_71 = arith.constant 0 : i32
      %dma_wait3A_72 = tpu.memref_slice %arg6[%scan3A_60, %dma_wait3A_71] : memref<157x128xi32, #tpu.memory_space<vmem>> -> memref<1x128xi32, #tpu.memory_space<vmem>>
      %dma_wait3A_73 = tpu.memref_squeeze %dma_wait3A_72 : memref<1x128xi32, #tpu.memory_space<vmem>> -> memref<128xi32, #tpu.memory_space<vmem>>
      %dma_wait3A_74 = arith.constant 0 : i32
      %dma_wait3A_75 = arith.constant 0 : i32
      %dma_wait3A_76 = tpu.memref_slice %arg2[%dma_wait3A, %dma_wait3A_74, %dma_wait3A_75] : memref<2x10000x64xf32, #tpu.memory_space<hbm>> -> memref<1x10000x64xf32, #tpu.memory_space<hbm>>
      %dma_wait3A_77 = tpu.memref_squeeze %dma_wait3A_76 : memref<1x10000x64xf32, #tpu.memory_space<hbm>> -> memref<10000x64xf32, #tpu.memory_space<hbm>>
      %dma_wait3A_78 = arith.constant 0 : i32
      %dma_wait3A_79 = arith.constant 0 : i32
      %dma_wait3A_80 = tpu.memref_slice %dma_wait3A_77[%dma_wait3A_78, %dma_wait3A_79] : memref<10000x64xf32, #tpu.memory_space<hbm>> -> memref<10000x64xf32, #tpu.memory_space<hbm>>
      tpu.wait_indirect_dma semaphore(%arg10 : memref<!tpu.dma_semaphore, #tpu.memory_space<semaphore_mem>>) src(%dma_wait3A_80 : memref<10000x64xf32, #tpu.memory_space<hbm>>) dst(%arg7 : memref<128x64xf32, #tpu.memory_space<vmem>>)
      "tpu.region"() ({
        %run_scoped3A_81 = tpu.sem_alloc : memref<!tpu.dma_semaphore, #tpu.memory_space<semaphore_mem>>
        %dma_start3A_82 = arith.constant 0 : i32
        %dma_start3A_83 = tpu.memref_slice %arg5[%scan3A_60, %dma_start3A_82] : memref<157x128xi32, #tpu.memory_space<vmem>> -> memref<1x128xi32, #tpu.memory_space<vmem>>
        %dma_start3A_84 = tpu.memref_squeeze %dma_start3A_83 : memref<1x128xi32, #tpu.memory_space<vmem>> -> memref<128xi32, #tpu.memory_space<vmem>>
        %dma_start3A_85 = arith.constant 0 : i32
        %dma_start3A_86 = arith.constant 0 : i32
        %dma_start3A_87 = tpu.memref_slice %arg9[%dma_start3A_85, %dma_start3A_86] : memref<10016x64xf32, #tpu.memory_space<vmem_shared>> -> memref<10016x64xf32, #tpu.memory_space<vmem_shared>>
        tpu.enqueue_indirect_dma source(%arg7 : memref<128x64xf32, #tpu.memory_space<vmem>>) target(%dma_start3A_87 : memref<10016x64xf32, #tpu.memory_space<vmem_shared>>) offsets(%dma_start3A_84 : memref<128xi32, #tpu.memory_space<vmem>>) semaphore(%run_scoped3A_81 : memref<!tpu.dma_semaphore, #tpu.memory_space<semaphore_mem>>) {add = true}
        %dma_wait3A_88 = arith.constant 0 : i32
        %dma_wait3A_89 = tpu.memref_slice %arg5[%scan3A_60, %dma_wait3A_88] : memref<157x128xi32, #tpu.memory_space<vmem>> -> memref<1x128xi32, #tpu.memory_space<vmem>>
        %dma_wait3A_90 = tpu.memref_squeeze %dma_wait3A_89 : memref<1x128xi32, #tpu.memory_space<vmem>> -> memref<128xi32, #tpu.memory_space<vmem>>
        %dma_wait3A_91 = arith.constant 0 : i32
        %dma_wait3A_92 = arith.constant 0 : i32
        %dma_wait3A_93 = tpu.memref_slice %arg9[%dma_wait3A_91, %dma_wait3A_92] : memref<10016x64xf32, #tpu.memory_space<vmem_shared>> -> memref<10016x64xf32, #tpu.memory_space<vmem_shared>>
        tpu.wait_indirect_dma semaphore(%run_scoped3A_81 : memref<!tpu.dma_semaphore, #tpu.memory_space<semaphore_mem>>) src(%arg7 : memref<128x64xf32, #tpu.memory_space<vmem>>) dst(%dma_wait3A_93 : memref<10016x64xf32, #tpu.memory_space<vmem_shared>>)
        tpu.yield
      }) : () -> ()
    }
    %scan3A_51 = arith.constant 157 : i32
    %barrier3A_52 = arith.constant 0 : index
    tpu.barrier barrier_id(%barrier3A_52)
    %run_scoped3A_53 = arith.constant 1 : i32
    "tpu.region"() ({
      %run_scoped3A_60 = tpu.sem_alloc : memref<!tpu.dma_semaphore, #tpu.memory_space<semaphore_mem>>
      %dma_start3A = arith.constant 0 : i32
      %dma_start3A_61 = arith.constant 0 : i32
      %dma_start3A_62 = tpu.memref_slice %arg4[%arg0, %run_scoped3A_53, %dma_start3A, %dma_start3A_61] : memref<2x2x10000x64xf32, #tpu.memory_space<hbm>> -> memref<1x1x10000x64xf32, #tpu.memory_space<hbm>>
      %dma_start3A_63 = tpu.memref_squeeze %dma_start3A_62 : memref<1x1x10000x64xf32, #tpu.memory_space<hbm>> -> memref<10000x64xf32, #tpu.memory_space<hbm>>
      %dma_start3A_64 = arith.constant 0 : i32
      %dma_start3A_65 = tpu.memref_slice %dma_start3A_63[%mul3A_8, %dma_start3A_64] : memref<10000x64xf32, #tpu.memory_space<hbm>> -> memref<624x64xf32, #tpu.memory_space<hbm>>
      %dma_start3A_66 = arith.constant 0 : i32
      %dma_start3A_67 = tpu.memref_slice %arg9[%mul3A_8, %dma_start3A_66] : memref<10016x64xf32, #tpu.memory_space<vmem_shared>> -> memref<624x64xf32, #tpu.memory_space<vmem_shared>>
      tpu.enqueue_dma source(%dma_start3A_67 : memref<624x64xf32, #tpu.memory_space<vmem_shared>>) target(%dma_start3A_65 : memref<624x64xf32, #tpu.memory_space<hbm>>) target_semaphore(%run_scoped3A_60 : memref<!tpu.dma_semaphore, #tpu.memory_space<semaphore_mem>>)
      %dma_wait3A = arith.constant 0 : i32
      %dma_wait3A_68 = arith.constant 0 : i32
      %dma_wait3A_69 = tpu.memref_slice %arg4[%arg0, %run_scoped3A_53, %dma_wait3A, %dma_wait3A_68] : memref<2x2x10000x64xf32, #tpu.memory_space<hbm>> -> memref<1x1x10000x64xf32, #tpu.memory_space<hbm>>
      %dma_wait3A_70 = tpu.memref_squeeze %dma_wait3A_69 : memref<1x1x10000x64xf32, #tpu.memory_space<hbm>> -> memref<10000x64xf32, #tpu.memory_space<hbm>>
      %dma_wait3A_71 = arith.constant 0 : i32
      %dma_wait3A_72 = tpu.memref_slice %dma_wait3A_70[%mul3A_8, %dma_wait3A_71] : memref<10000x64xf32, #tpu.memory_space<hbm>> -> memref<624x64xf32, #tpu.memory_space<hbm>>
      %dma_wait3A_73 = arith.constant 0 : i32
      %dma_wait3A_74 = tpu.memref_slice %arg9[%mul3A_8, %dma_wait3A_73] : memref<10016x64xf32, #tpu.memory_space<vmem_shared>> -> memref<624x64xf32, #tpu.memory_space<vmem_shared>>
      tpu.wait_dma2 semaphore(%run_scoped3A_60 : memref<!tpu.dma_semaphore, #tpu.memory_space<semaphore_mem>>) src(%dma_wait3A_74 : memref<624x64xf32, #tpu.memory_space<vmem_shared>>) dst(%dma_wait3A_72 : memref<624x64xf32, #tpu.memory_space<hbm>>)
      tpu.yield
    }) : () -> ()
    %eq3A_54 = arith.constant 15 : i32
    %eq3A_55 = arith.cmpi eq, %arg1, %eq3A_54 : i32
    %convert_element_type3A_56 = arith.extui %eq3A_55 : i1 to i32
    %cond3A_57 = arith.constant 0 : i32
    %cond3A_58 = arith.cmpi ne, %convert_element_type3A_56, %cond3A_57 : i32
    scf.if %cond3A_58 {
      %run_scoped3A_60 = arith.constant 1 : i32
      "tpu.region"() ({
        %run_scoped3A_61 = tpu.sem_alloc : memref<!tpu.dma_semaphore, #tpu.memory_space<semaphore_mem>>
        %dma_start3A = arith.constant 0 : i32
        %dma_start3A_62 = arith.constant 0 : i32
        %dma_start3A_63 = tpu.memref_slice %arg4[%arg0, %run_scoped3A_60, %dma_start3A, %dma_start3A_62] : memref<2x2x10000x64xf32, #tpu.memory_space<hbm>> -> memref<1x1x10000x64xf32, #tpu.memory_space<hbm>>
        %dma_start3A_64 = tpu.memref_squeeze %dma_start3A_63 : memref<1x1x10000x64xf32, #tpu.memory_space<hbm>> -> memref<10000x64xf32, #tpu.memory_space<hbm>>
        %dma_start3A_65 = arith.constant 9984 : i32
        %dma_start3A_66 = arith.constant 0 : i32
        %dma_start3A_67 = tpu.memref_slice %dma_start3A_64[%dma_start3A_65, %dma_start3A_66] : memref<10000x64xf32, #tpu.memory_space<hbm>> -> memref<16x64xf32, #tpu.memory_space<hbm>>
        %dma_start3A_68 = arith.constant 9984 : i32
        %dma_start3A_69 = arith.constant 0 : i32
        %dma_start3A_70 = tpu.memref_slice %arg9[%dma_start3A_68, %dma_start3A_69] : memref<10016x64xf32, #tpu.memory_space<vmem_shared>> -> memref<16x64xf32, #tpu.memory_space<vmem_shared>>
        tpu.enqueue_dma source(%dma_start3A_70 : memref<16x64xf32, #tpu.memory_space<vmem_shared>>) target(%dma_start3A_67 : memref<16x64xf32, #tpu.memory_space<hbm>>) target_semaphore(%run_scoped3A_61 : memref<!tpu.dma_semaphore, #tpu.memory_space<semaphore_mem>>)
        %dma_wait3A = arith.constant 0 : i32
        %dma_wait3A_71 = arith.constant 0 : i32
        %dma_wait3A_72 = tpu.memref_slice %arg4[%arg0, %run_scoped3A_60, %dma_wait3A, %dma_wait3A_71] : memref<2x2x10000x64xf32, #tpu.memory_space<hbm>> -> memref<1x1x10000x64xf32, #tpu.memory_space<hbm>>
        %dma_wait3A_73 = tpu.memref_squeeze %dma_wait3A_72 : memref<1x1x10000x64xf32, #tpu.memory_space<hbm>> -> memref<10000x64xf32, #tpu.memory_space<hbm>>
        %dma_wait3A_74 = arith.constant 9984 : i32
        %dma_wait3A_75 = arith.constant 0 : i32
        %dma_wait3A_76 = tpu.memref_slice %dma_wait3A_73[%dma_wait3A_74, %dma_wait3A_75] : memref<10000x64xf32, #tpu.memory_space<hbm>> -> memref<16x64xf32, #tpu.memory_space<hbm>>
        %dma_wait3A_77 = arith.constant 9984 : i32
        %dma_wait3A_78 = arith.constant 0 : i32
        %dma_wait3A_79 = tpu.memref_slice %arg9[%dma_wait3A_77, %dma_wait3A_78] : memref<10016x64xf32, #tpu.memory_space<vmem_shared>> -> memref<16x64xf32, #tpu.memory_space<vmem_shared>>
        tpu.wait_dma2 semaphore(%run_scoped3A_61 : memref<!tpu.dma_semaphore, #tpu.memory_space<semaphore_mem>>) src(%dma_wait3A_79 : memref<16x64xf32, #tpu.memory_space<vmem_shared>>) dst(%dma_wait3A_76 : memref<16x64xf32, #tpu.memory_space<hbm>>)
        tpu.yield
      }) : () -> ()
    } else {
    }
    %barrier3A_59 = arith.constant 0 : index
    tpu.barrier barrier_id(%barrier3A_59)
    return
  }
}

</mosaic_0001>

<sc_bundles>
// kernel: _run.3.cloned.1.call-start
scs
__scs_entry_jumppad:
0x0: {  	(pc) =	sbr.rel $0x88, $3  }
0x1: {  	(tag) =	ssettag $0x0;
	lr =	simm.s32 $0x1  }
0x2: {  	[smem:$0x3F9E] =	sst lr;
	_ =	strace $0xD0000000  }
0x3: {  	_ = 	snop  }
0x4: {  	_ = 	snop  }
0x5: {  	_ = 	snop  }
0x6: {  	_ = 	snop  }
0x7: {  	_ = 	snop  }
__scs_overlays_trampoline_lowered:
0x8: {  	[smem:$0x3FAD] =	sst s0  }
0x9: {  	[smem:$0x3FAE] =	sst s1  }
0xa: {  	[smem:$0x3FAF] =	sst s2  }
0xb: {  	[smem:$0x3FB0] =	sst s3  }
0xc: {  	[smem:$0x3FB1] =	sst s4  }
0xd: {  	[smem:$0x3FB2] =	sst s5  }
0xe: {  	[smem:$0x3FB3] =	sst s6  }
0xf: {  	[smem:$0x3FB4] =	sst s7  }
0x10: {  	[smem:$0x3FB5] =	sst s8  }
0x11: {  	[smem:$0x3FB6] =	sst s9;
	s0 =	simm.s32 @!p0 $0x0  }
0x12: {  	s1 =	sld [smem:$0x3F9C];
	s0 =	simm.s32 @p0 $0x1  }
0x13: {  	[smem:$0x3FB7] =	sst s0;
	s0 =	simm.s32 @!p1 $0x0  }
0x14: {  	s2 =	sld [smem:$0x3F9B];
	s0 =	simm.s32 @p1 $0x1  }
0x15: {  	[smem:$0x3FB8] =	sst s0;
	s0 =	simm.s32 @!p2 $0x0  }
0x16: {  	s3 =	sld [smem:$0x3FDB];
	s0 =	simm.s32 @p2 $0x1  }
0x17: {  	s4 =	simm.s32 $0x1BF5;
	[smem:$0x3FBA] =	sst s0  }
0x18: {  	s0 =	sld [smem:$0x3F9D];
	_ =	swait.ge [sflag:s4], $0x0  }
0x19: {  	s7 =	sld [smem:$0x3F9E]  }
0x1a: {  	s8 =	sadd.s32 $0xFFFFE003, lr  }
0x1b: {  	s9 =	sadd.s32 $0xFFFFFEF7, lr;
	s5 =	simm.s32 $0xFFFFFFFF;
	p2 =	slt.u32 s8, $0xFFFFF086  }
0x1c: {  	p1 =	slt.u32 s9, $0xF7A;
	s5 =	simm.s32 @!p2 $0x0  }
0x1d: {  	s5 =	simm.s32 @p1 $0x1;
	p0 =	seq.s32 s7, s2  }
0x1e: {  	s7 =	smul.u32 @!p0 $0xF7A, s2;
	p2 =	seq.s32 @!p0 s5, $0x0  }
0x1f: {  	s9 =	smul.u32 $0xF7A, s1;
	s8 =	simm.s32 @!p0 $0x1BF5;
	p2 =	por !p2, p0  }
0x20: {  	[sflag:s8] =	ssyncset.s32 @!p0 $0xFFFFF086;
	s6 =	sadd.s32 @!p0 s3, s7;
	s7 =	simm.s32 @!p0 $0x108  }
0x21: {  	s3 =	sadd.s32 s3, s9;
	s6 =	sadd.s32 @!p0 $0x88, s6;
	s7 =	simm.s32 @p2 $0x1082  }
0x22: {  	[simem:s7], [sflag:s8] =	dma.local @!p0 [hbm:s6], $0xF7A  }
0x23: {  	s9 =	sor.u32 $0xD0000000, s2;
	s6 =	simm.s32 $0x108;
	_ =	swait.ge @!p0 [sflag:s8], $0x0  }
0x24: {  	s3 =	sadd.s32 $0x88, s3;
	s6 =	simm.s32 @!p1 $0x1082;
	[sflag:s4] =	ssyncset.s32 $0xFFFFF086  }
0x25: {  	[simem:s6], [sflag:s4] =	dma.local [hbm:s3], $0xF7A  }
0x26: {  	[smem:$0x3F9E] =	sst s1;
	(tag) =	ssettag s2;
	_ =	strace s9  }
0x27: {  	s1 =	sld [smem:$0x3FAE]  }
0x28: {  	s2 =	sld [smem:$0x3FAF]  }
0x29: {  	s4 =	sld [smem:$0x3FB1]  }
0x2a: {  	p0 =	seq.s32 s5, $0x0;
	s5 =	sld [smem:$0x3FB2]  }
0x2b: {  	s6 =	sld [smem:$0x3FB3]  }
0x2c: {  	s7 =	sld [smem:$0x3FB4]  }
0x2d: {  	s3 =	simm.s32 $0x108;
	s8 =	sld [smem:$0x3FB5]  }
0x2e: {  	s3 =	simm.s32 @!p0 $0x1082;
	s9 =	sld [smem:$0x3FB6]  }
0x2f: {  	lr =	sadd.s32 s0, s3;
	s0 =	sld [smem:$0x3FAD]  }
0x30: {  	s3 =	sld [smem:$0x3FB0]  }
0x31: {  	[smem:$0x3FB9] =	sst s10  }
0x32: {  	s10 =	sld [smem:$0x3FB7];
	_ =	sdelay $0x3  }
0x33: {  	p0 =	seq.s32 s10, $0x1;
	s10 =	sld [smem:$0x3FB9];
	_ =	sdelay $0x3  }
0x34: {  	[smem:$0x3FB9] =	sst s10  }
0x35: {  	s10 =	sld [smem:$0x3FB8];
	_ =	sdelay $0x3  }
0x36: {  	p1 =	seq.s32 s10, $0x1;
	s10 =	sld [smem:$0x3FB9];
	_ =	sdelay $0x3  }
0x37: {  	[smem:$0x3FB9] =	sst s10  }
0x38: {  	s10 =	sld [smem:$0x3FBA]  }
0x39: {  	_ = 	snop;
	(pc) =	sbr.ind lr, $3  }
0x3a: {  	_ = 	snop  }
0x3b: {  	_ = 	snop  }
0x3c: {  	p2 =	seq.s32 s10, $0x1;
	s10 =	sld [smem:$0x3FB9]  }
0x3d: {  	_ =	shalt  }
0x3e: {  	_ =	shalt  }
0x3f: {  	_ =	shalt  }
0x40: {  	_ =	shalt  }
0x41: {  	_ =	shalt  }
0x42: {  	_ =	shalt  }
0x43: {  	_ =	shalt  }
0x44: {  	_ =	shalt  }
0x45: {  	_ =	shalt  }
0x46: {  	_ =	shalt  }
0x47: {  	_ =	shalt  }
0x48: {  	_ =	shalt  }
0x49: {  	_ =	shalt  }
0x4a: {  	_ =	shalt  }
0x4b: {  	_ =	shalt  }
0x4c: {  	_ =	shalt  }
0x4d: {  	_ =	shalt  }
0x4e: {  	_ =	shalt  }
0x4f: {  	_ =	shalt  }
0x50: {  	_ =	shalt  }
0x51: {  	_ =	shalt  }
0x52: {  	_ =	shalt  }
0x53: {  	_ =	shalt  }
0x54: {  	_ =	shalt  }
0x55: {  	_ =	shalt  }
0x56: {  	_ =	shalt  }
0x57: {  	_ =	shalt  }
0x58: {  	_ =	shalt  }
0x59: {  	_ =	shalt  }
0x5a: {  	_ =	shalt  }
0x5b: {  	_ =	shalt  }
0x5c: {  	_ =	shalt  }
0x5d: {  	_ =	shalt  }
0x5e: {  	_ =	shalt  }
0x5f: {  	_ =	shalt  }
0x60: {  	_ =	shalt  }
0x61: {  	_ =	shalt  }
0x62: {  	_ =	shalt  }
0x63: {  	_ =	shalt  }
0x64: {  	_ =	shalt  }
0x65: {  	_ =	shalt  }
0x66: {  	_ =	shalt  }
0x67: {  	_ =	shalt  }
0x68: {  	_ =	shalt  }
0x69: {  	_ =	shalt  }
0x6a: {  	_ =	shalt  }
0x6b: {  	_ =	shalt  }
0x6c: {  	_ =	shalt  }
0x6d: {  	_ =	shalt  }
0x6e: {  	_ =	shalt  }
0x6f: {  	_ =	shalt  }
0x70: {  	_ =	shalt  }
0x71: {  	_ =	shalt  }
0x72: {  	_ =	shalt  }
0x73: {  	_ =	shalt  }
0x74: {  	_ =	shalt  }
0x75: {  	_ =	shalt  }
0x76: {  	_ =	shalt  }
0x77: {  	_ =	shalt  }
0x78: {  	_ =	shalt  }
0x79: {  	_ =	shalt  }
0x7a: {  	_ =	shalt  }
0x7b: {  	_ =	shalt  }
0x7c: {  	_ =	shalt  }
0x7d: {  	_ =	shalt  }
0x7e: {  	_ =	shalt  }
0x7f: {  	_ =	shalt  }
0x80: {  	_ =	shalt  }
0x81: {  	_ =	shalt  }
0x82: {  	_ =	shalt  }
0x83: {  	_ =	shalt  }
0x84: {  	_ =	shalt  }
0x85: {  	_ =	shalt  }
0x86: {  	_ =	shalt  }
0x87: {  	_ =	shalt  }
.Lfunc_end0:
.L_simem_size_0:
called_computation_lowered:
.L_overlay_start_0:
0x88: {  	s2 =	sld [smem:$0x3FD9]  }
0x89: {  	s3 =	sld [smem:$0x3FFE];
	_ =	sdelay $0x1  }
0x8a: {  	s1 =	srdreg.scid  }
0x8b: {  	s0 =	sand.u32 $0x1, s1  }
0x8c: {  	s17 =	sshll.u32 s0, $0xA;
	s2 =	sadd.s32 s3, s2  }
0x8d: {  	s2 =	sadd.s32 s2, s17  }
0x8e: {  	[smem:$0x3FC5] =	sst s2  }
0x8f: {  	_ = 	snop  }
0x90: {  	s2 =	sld [smem:$0x3FD0];
	(tm) =	ssettm $0x1  }
0x91: {  	s18 =	sld [smem:$0x3FFB];
	_ =	sdelay $0x3  }
0x92: {  	_ =	strace s18  }
0x93: {  	s3 =	sld [smem:$0x3FFC];
	_ =	sdelay $0x3  }
0x94: {  	_ =	strace s3  }
0x95: {  	s3 =	sld [smem:$0x3FFD];
	_ =	sdelay $0x3  }
0x96: {  	_ =	strace s3  }
0x97: {  	_ =	strace $0x8FFFFFFF  }
0x98: {  	s19 =	sld [smem:$0x3FDB];
	_ =	sdelay $0x1  }
0x99: {  	s4 =	simm.s32 $_scs_section_size  }
0x9a: {  	s5 =	simm.s32 $_size__tile_overlayer_lowered;
	s6 =	simm.s32 $_tile_overlayer_lowered  }
0x9b: {  	s22 =	simm.s32 $0x1BFF;
	s21 =	sshll.u32 s6, $0x1;
	s3 =	sadd.s32 s4, s19  }
0x9c: {  	s7 =	simm.s32 $0x0;
	s20 =	sshll.u32 s5, $0x1;
	s5 =	sadd.s32 s21, s3  }
0x9d: {  	[timem:s7], [sflag:s22] =	dma.local [hbm:s5], s20  }
0x9e: {  	_ =	swait.ge [sflag:s22], s20  }
0x9f: {  	s4 =	ssub.s32 $0x0, s20;
	[sflag:s22] =	ssyncset.done $0x0  }
0xa0: {  	[sflag:s22] =	ssyncadd.s32 s4;
	_ =	sdelay $0x1  }
0xa1: {  	s23 =	simm.s32 $0x1B8B  }
0xa2: {  	_ =	swait.ge [sflag:s23], $0x1  }
0xa3: {  	[sflag:s23] =	ssyncset.done $0x0  }
0xa4: {  	s25 =	simm.s32 $0x1B8E;
	s24 =	sld [smem:$0x3FFE];
	[sflag:s23] =	ssyncadd.s32 $0xFFFFFFFF  }
0xa5: {  	s26 =	simm.s32 $execute0_lowered;
	[smem:$0x3FD2] =	sst s25  }
0xa6: {  	s5 =	sshll.u32 s26, $0x1;
	_ =	strace $0x80000046;
	[dreg:$0x1] =	wrdreg $0xFFFFFFFF  }
0xa7: {  	s28 =	simm.s32 $_size_execute0_lowered;
	s3 =	sadd.s32 s3, s5;
	[dreg:$0x0] =	wrdreg $0x0  }
0xa8: {  	s5 =	sshll.u32 s28, $0x1;
	[dreg:$0x2] =	wrdreg s3  }
0xa9: {  	[dreg:$0x3] =	wrdreg s5  }
0xaa: {  	[dreg:$0x4] =	wrdreg $0xC0  }
0xab: {  	_ =	task [dreg:s7], $0x5FFFF  }
0xac: {  	[dreg:$0x1] =	wrdreg $0xFFFFFFFF  }
0xad: {  	[dreg:$0x0] =	wrdreg $0x60  }
0xae: {  	[dreg:$0x2] =	wrdreg s24  }
0xaf: {  	[dreg:$0x3] =	wrdreg s2  }
0xb0: {  	[dreg:$0x4] =	wrdreg $0xCD000  }
0xb1: {  	[dreg:$0x5] =	wrdreg $0x9  }
0xb2: {  	_ =	task.clear_ibuf [dreg:s7], $0x6FFFF;
	_ =	strace $0x90000046  }
0xb3: {  	s29 =	simm.s32 $0x9;
	_ =	strace $0x80000048  }
0xb4: {  	_ =	swait.ge [sflag:s29], $0x1  }
0xb5: {  	[sflag:s29] =	ssyncadd.s32 $0xFFFFFFFF  }
0xb6: {  	_ =	strace $0x90000048  }
0xb7: {  	_ =	sfence  }
0xb8: {  	s30 =	sld [smem:$0x0];
	_ =	sdelay $0x2  }
0xb9: {  	s31 =	sshll.u32 s1, $0xD;
	s1 =	sshrl.u32 s1, $0x2  }
0xba: {  	s3 =	sand.u32 $0x4000, s31;
	s1 =	sadd.s32 s1, s30  }
0xbb: {  	s0 =	sor.u32 s3, s0;
	s1 =	sshll.u32 s1, $0x11  }
0xbc: {  	s0 =	sor.u32 s1, s0  }
0xbd: {  	s0 =	sadd.s32 $0x8F2B, s0  }
0xbe: {  	[sflag:s0] =	ssyncadd.remote.s32 $0x1  }
0xbf: {  	_ =	sfence.sel $0xFFFF  }
0xc0: {  	[dreg:$0x0] =	wrdreg $0xFFFFFFFF;
	(pc) =	sbr.abs _section_cstart, $3  }
0xc1: {  	[dreg:$0x1] =	wrdreg $0xFFFFFFFF  }
0xc2: {  	_ =	task.clear_ibuf [dreg:s7], $0x2FFFF;
	_ =	strace $0x9FFFFFFF  }
0xc3: {  	(tm) =	ssettm $0x7FFFFFFF  }
tec
execute0_lowered:
.L_overlay_start_1:
0x0: {  	(tag) =	ssettag $0x1  }
0x1: {  	s0 =	rddreg [dreg:$0x0]  }
0x2: {  	s1 =	rddreg [dreg:$0x1]  }
0x3: {  	s3 =	srdreg.scid;
	s2 =	rddreg [dreg:$0x2]  }
0x4: {  	s15 =	stileid.u32;
	s4 =	simm.s32 $0x0;
	s28 =	simm.s32 $0x80  }
0x5: {  	s29 =	simm.s32 $0x9D00;
	s30 =	simm.s32 $0x1;
	s7 =	smul.u32 $0x4E80, s15  }
0x6: {  	s31 =	simm.s32 $0x0;
	s5 =	sand.u32 $0x1, s3;
	s8 =	smul.u32 $0x27000, s15  }
0x7: {  	[smem:$0x7FF] =	sst s4;
	s4 =	sadd.s32 $0x27400, s0;
	s12 =	smul.u32 $0x9C00, s15  }
0x8: {  	s13 =	sadd.s32 $0x3AC80, s0;
	p0 =	sne.s32 s15, $0xF;
	s6 =	smul.u32 $0x9D000, s5  }
0x9: {  	_ =	strace $0x80000047;
	s21 =	ssub.s32 $0x2, s5;
	s5 =	smul.u32 $0x138800, s5  }
0xa: {  	s9 =	sshrl.u32 s21, $0x1;
	s24 =	sshrl.u32 s8, $0x2;
	s11 =	sshrl.u32 s12, $0x3  }
0xb: {  	s25 =	sadd.s32 s12, s2;
	s6 =	sadd.s32 s7, s6;
	s22 =	ssub.s32 s21, s9  }
0xc: {  	s7 =	sadd.s32 s24, s2;
	s5 =	sshrl.u32 s5, $0x3;
	s9 =	sadd.s32 $0x9C000, s2  }
0xd: {  	[dreg:$0x6] =	wrdreg s25;
	s24 =	simm.s32 $0x2;
	s6 =	sshrl.u32 s6, $0x3  }
0xe: {  	s8 =	sadd.s32 $0x9000, s7;
	s26 =	smax.u32 s22, $0x1;
	s16 =	sadd.s32 $0x1000, s7  }
0xf: {  	s17 =	sadd.s32 $0x2000, s7;
	s18 =	sadd.s32 $0x3000, s7;
	s19 =	sadd.s32 $0x4000, s7  }
0x10: {  	s20 =	sadd.s32 $0x5000, s7;
	s21 =	sadd.s32 $0x6000, s7;
	s22 =	sadd.s32 $0x7000, s7  }
0x11: {  	s10 =	sadd.s32 s0, s6;
	[dreg:$0x7] =	wrdreg s26;
	s26 =	simm.s32 $0xBD00  }
0x12: {  	[dreg:$0x4] =	wrdreg s10;
	s23 =	sadd.s32 $0x9D00, s10;
	s10 =	sadd.s32 s1, s5  }
0x13: {  	v0 =	vimm.f32 $0.0e+00;
	[dreg:$0x5] =	wrdreg s23;
	s14 =	sadd.s32 $0x13880, s10;
	s23 =	sadd.s32 $0x8000, s7  }
.LBB2_1:
0x14: {  	s1 =	simm.s32 $0x0;
	s0 =	rddreg [dreg:$0x4]  }
0x15: {  	[tilespmem:s1], [sflag:$0x2] =	stream.linear.gather [hbm4b:s0+s1], $0x4E80, $0x38;
	[tilespmem:$0x16980] =	vst v63  }
0x16: {  	_ =	swait.ge [sflag:s24], $0x4E80  }
0x17: {  	[sflag:s24] =	ssyncset.done $0x0  }
0x18: {  	s3 =	simm.s32 $0x4E80;
	s25 =	rddreg [dreg:$0x5];
	[sflag:s24] =	ssyncadd.s32 $0xFFFFB180  }
0x19: {  	[tilespmem:s3], [sflag:$0x2] =	stream.linear.gather [hbm4b:s25+s1], $0x4E80, $0x38;
	[tilespmem:$0x16980] =	vst v63  }
0x1a: {  	_ =	swait.ge [sflag:s24], $0x4E80  }
0x1b: {  	[sflag:s24] =	ssyncset.done $0x0  }
0x1c: {  	s0 =	simm.s32 $0x10;
	s1 =	sand.u32 $0xFF0, s1;
	[sflag:s24] =	ssyncadd.s32 $0xFFFFB180  }
.LBB2_2:
0x1d: {  	p1 =	sne.s32 s0, $0xFF0;
	[tilespmem:s1+$0xBD00] =	vst v0;
	s1 =	smov.u32 s0;
	s0 =	sadd.s32 $0x10, s0  }
.Ltmp0:
0x1e: {  	(pc) =	sbr.rel @p1 .LBB2_2-.Ltmp0, $2  }
0x1f: {  	_ =	sdelay $0x2  }
0x20: {  	s1 =	sand.u32 $0xFF0, s1  }
0x21: {  	[tilespmem:s1+$0xBD00] =	vst v0  }
0x22: {  	[spmem:s7] =	stream.linear.scatter [tilespmem:s26], [sflag:$0x2], $0x1000, $0x38;
	[tilespmem:$0x16980] =	vst v63  }
0x23: {  	_ =	swait.ge [sflag:s24], $0x1000  }
0x24: {  	[sflag:s24] =	ssyncset.done $0x0  }
0x25: {  	[sflag:s24] =	ssyncadd.s32 $0xFFFFF000  }
0x26: {  	[spmem:s16] =	stream.linear.scatter [tilespmem:s26], [sflag:$0x2], $0x1000, $0x38;
	[tilespmem:$0x16980] =	vst v63  }
0x27: {  	_ =	swait.ge [sflag:s24], $0x1000  }
0x28: {  	[sflag:s24] =	ssyncset.done $0x0  }
0x29: {  	[sflag:s24] =	ssyncadd.s32 $0xFFFFF000  }
0x2a: {  	[spmem:s17] =	stream.linear.scatter [tilespmem:s26], [sflag:$0x2], $0x1000, $0x38;
	[tilespmem:$0x16980] =	vst v63  }
0x2b: {  	_ =	swait.ge [sflag:s24], $0x1000  }
0x2c: {  	[sflag:s24] =	ssyncset.done $0x0  }
0x2d: {  	[sflag:s24] =	ssyncadd.s32 $0xFFFFF000  }
0x2e: {  	[spmem:s18] =	stream.linear.scatter [tilespmem:s26], [sflag:$0x2], $0x1000, $0x38;
	[tilespmem:$0x16980] =	vst v63  }
0x2f: {  	_ =	swait.ge [sflag:s24], $0x1000  }
0x30: {  	[sflag:s24] =	ssyncset.done $0x0  }
0x31: {  	[sflag:s24] =	ssyncadd.s32 $0xFFFFF000  }
0x32: {  	[spmem:s19] =	stream.linear.scatter [tilespmem:s26], [sflag:$0x2], $0x1000, $0x38;
	[tilespmem:$0x16980] =	vst v63  }
0x33: {  	_ =	swait.ge [sflag:s24], $0x1000  }
0x34: {  	[sflag:s24] =	ssyncset.done $0x0  }
0x35: {  	[sflag:s24] =	ssyncadd.s32 $0xFFFFF000  }
0x36: {  	[spmem:s20] =	stream.linear.scatter [tilespmem:s26], [sflag:$0x2], $0x1000, $0x38;
	[tilespmem:$0x16980] =	vst v63  }
0x37: {  	_ =	swait.ge [sflag:s24], $0x1000  }
0x38: {  	[sflag:s24] =	ssyncset.done $0x0  }
0x39: {  	[sflag:s24] =	ssyncadd.s32 $0xFFFFF000  }
0x3a: {  	[spmem:s21] =	stream.linear.scatter [tilespmem:s26], [sflag:$0x2], $0x1000, $0x38;
	[tilespmem:$0x16980] =	vst v63  }
0x3b: {  	_ =	swait.ge [sflag:s24], $0x1000  }
0x3c: {  	[sflag:s24] =	ssyncset.done $0x0  }
0x3d: {  	[sflag:s24] =	ssyncadd.s32 $0xFFFFF000  }
0x3e: {  	[spmem:s22] =	stream.linear.scatter [tilespmem:s26], [sflag:$0x2], $0x1000, $0x38;
	[tilespmem:$0x16980] =	vst v63  }
0x3f: {  	_ =	swait.ge [sflag:s24], $0x1000  }
0x40: {  	[sflag:s24] =	ssyncset.done $0x0  }
0x41: {  	[sflag:s24] =	ssyncadd.s32 $0xFFFFF000  }
0x42: {  	[spmem:s23] =	stream.linear.scatter [tilespmem:s26], [sflag:$0x2], $0x1000, $0x38;
	[tilespmem:$0x16980] =	vst v63  }
0x43: {  	_ =	swait.ge [sflag:s24], $0x1000  }
0x44: {  	[sflag:s24] =	ssyncset.done $0x0  }
0x45: {  	[sflag:s24] =	ssyncadd.s32 $0xFFFFF000  }
0x46: {  	[spmem:s8] =	stream.linear.scatter [tilespmem:s26], [sflag:$0x2], $0xC00, $0x38;
	[tilespmem:$0x16980] =	vst v63  }
0x47: {  	_ =	swait.ge [sflag:s24], $0xC00  }
0x48: {  	[sflag:s24] =	ssyncset.done $0x0  }
0x49: {  	s0 =	simm.s32 @!p0 $0xBD00;
	[sflag:s24] =	ssyncadd.s32 $0xFFFFF400  }
0x4a: {  	[spmem:s9] =	stream.linear.scatter @!p0 [tilespmem:s0], [sflag:$0x2], $0x800, $0x38;
	[tilespmem:$0x16980] =	vst v63  }
0x4b: {  	s0 =	simm.s32 @!p0 $0x2  }
0x4c: {  	_ =	swait.ge @!p0 [sflag:s0], $0x800  }
0x4d: {  	[sflag:s0] =	ssyncset.done @!p0 $0x0  }
0x4e: {  	[sflag:s0] =	ssyncadd.s32 @!p0 $0xFFFFF800  }
0x4f: {  	s15 =	simm.s32 $0x4E80;
	[bflag:$0x0] =	sbarrier.arrive $0xFFFF  }
0x50: {  	[tilespmem:s29], [sflag:$0x1] =	stream.indirect.gather [hbm4b:s4+s28], $0x40, s15, s28, $0xb8;
	[tilespmem:$0x16980] =	vst v63  }
0x51: {  	_ =	swait.ge [sflag:s30], $0x2000  }
0x52: {  	[sflag:s30] =	ssyncset.done $0x0  }
0x53: {  	s25 =	simm.s32 $0x0;
	[sflag:s30] =	ssyncadd.s32 $0xFFFFE000  }
0x54: {  	[spmem:s2] =	stream.indirect.scatter.add.f32 [tilespmem:s29], [sflag:$0x2], $0x40, s25, s28, $0xb8;
	[tilespmem:$0x16980] =	vst v63  }
0x55: {  	_ =	swait.ge [sflag:s24], $0x2000  }
0x56: {  	s1 =	simm.s32 $0x400;
	s0 =	simm.s32 $0x80;
	[sflag:s24] =	ssyncset.done $0x0  }
.LBB2_4:
0x57: {  	s5 =	sadd.s32 $0x4E80, s0  }
0x58: {  	[sflag:s24] =	ssyncadd.s32 $0xFFFFE000;
	s6 =	smov.u32 s1;
	s25 =	sadd.s32 $0x200, s1  }
0x59: {  	[tilespmem:s29], [sflag:$0x1] =	stream.indirect.gather [hbm4b:s4+s28], $0x40, s5, s28, $0xb8;
	[tilespmem:$0x16980] =	vst v63  }
0x5a: {  	p1 =	sne.s32 s1, $0x13800;
	_ =	swait.ge [sflag:s30], $0x2000  }
.Ltmp1:
0x5b: {  	[sflag:s30] =	ssyncset.done $0x0;
	(pc) =	sbr.rel @p1 .LBB2_4-.Ltmp1, $4  }
0x5c: {  	[sflag:s30] =	ssyncadd.s32 $0xFFFFE000  }
0x5d: {  	[spmem:s2] =	stream.indirect.scatter.add.f32 [tilespmem:s29], [sflag:$0x2], $0x40, s0, s28, $0xb8;
	[tilespmem:$0x16980] =	vst v63  }
0x5e: {  	_ =	swait.ge [sflag:s24], $0x2000  }
0x5f: {  	s1 =	smov.u32 s25;
	s0 =	sshra.s32 s6, $0x2;
	[sflag:s24] =	ssyncset.done $0x0  }
0x60: {  	s1 =	sadd.s32 $0x4E80, s0;
	[sflag:s24] =	ssyncadd.s32 $0xFFFFE000  }
0x61: {  	[tilespmem:s29], [sflag:$0x1] =	stream.indirect.gather [hbm4b:s4+s28], $0x40, s1, s28, $0xb8;
	[tilespmem:$0x16980] =	vst v63  }
0x62: {  	_ =	swait.ge [sflag:s30], $0x2000  }
0x63: {  	[sflag:s30] =	ssyncset.done $0x0  }
0x64: {  	[sflag:s30] =	ssyncadd.s32 $0xFFFFE000  }
0x65: {  	[spmem:s2] =	stream.indirect.scatter.add.f32 [tilespmem:s29], [sflag:$0x2], $0x40, s0, s28, $0xb8;
	[tilespmem:$0x16980] =	vst v63  }
0x66: {  	_ =	swait.ge [sflag:s24], $0x2000  }
0x67: {  	[sflag:s24] =	ssyncset.done $0x0  }
0x68: {  	[sflag:s24] =	ssyncadd.s32 $0xFFFFE000  }
0x69: {  	s5 =	stileid.u32;
	[bflag:$0x0] =	sbarrier.arrive $0xFFFF  }
0x6a: {  	s0 =	sshll.u32 s5, $0x6;
	s3 =	rddreg [dreg:$0x6]  }
0x6b: {  	s6 =	sadd.s32 s11, s10;
	s0 =	sor.u32 $0x1C02, s0;
	s25 =	sshrl.u32 s3, $0x3  }
0x6c: {  	[hbm:s6], [sflag:s0] =	dma.local [spmem:s25], $0x1380  }
0x6d: {  	_ =	swait.ge [sflag:s24], $0x1380  }
0x6e: {  	[sflag:s24] =	ssyncset.done $0x0  }
0x6f: {  	s1 =	sshrl.u32 @!p0 s9, $0x3;
	s5 =	sadd.s32 @!p0 $0x13800, s10;
	[sflag:s24] =	ssyncadd.s32 $0xFFFFEC80  }
0x70: {  	[hbm:s5], [sflag:s0] =	dma.local @!p0 [spmem:s1], $0x80  }
0x71: {  	s5 =	simm.s32 @!p0 $0x2  }
0x72: {  	_ =	swait.ge @!p0 [sflag:s5], $0x80  }
0x73: {  	[sflag:s5] =	ssyncset.done @!p0 $0x0  }
0x74: {  	[sflag:s5] =	ssyncadd.s32 @!p0 $0xFFFFFF80  }
0x75: {  	[bflag:$0x0] =	sbarrier.arrive $0xFFFF  }
0x76: {  	[spmem:s7] =	stream.linear.scatter [tilespmem:s26], [sflag:$0x2], $0x1000, $0x38;
	[tilespmem:$0x16980] =	vst v63  }
0x77: {  	_ =	swait.ge [sflag:s24], $0x1000  }
0x78: {  	[sflag:s24] =	ssyncset.done $0x0  }
0x79: {  	[sflag:s24] =	ssyncadd.s32 $0xFFFFF000  }
0x7a: {  	[spmem:s16] =	stream.linear.scatter [tilespmem:s26], [sflag:$0x2], $0x1000, $0x38;
	[tilespmem:$0x16980] =	vst v63  }
0x7b: {  	_ =	swait.ge [sflag:s24], $0x1000  }
0x7c: {  	[sflag:s24] =	ssyncset.done $0x0  }
0x7d: {  	[sflag:s24] =	ssyncadd.s32 $0xFFFFF000  }
0x7e: {  	[spmem:s17] =	stream.linear.scatter [tilespmem:s26], [sflag:$0x2], $0x1000, $0x38;
	[tilespmem:$0x16980] =	vst v63  }
0x7f: {  	_ =	swait.ge [sflag:s24], $0x1000  }
0x80: {  	[sflag:s24] =	ssyncset.done $0x0  }
0x81: {  	[sflag:s24] =	ssyncadd.s32 $0xFFFFF000  }
0x82: {  	[spmem:s18] =	stream.linear.scatter [tilespmem:s26], [sflag:$0x2], $0x1000, $0x38;
	[tilespmem:$0x16980] =	vst v63  }
0x83: {  	_ =	swait.ge [sflag:s24], $0x1000  }
0x84: {  	[sflag:s24] =	ssyncset.done $0x0  }
0x85: {  	[sflag:s24] =	ssyncadd.s32 $0xFFFFF000  }
0x86: {  	[spmem:s19] =	stream.linear.scatter [tilespmem:s26], [sflag:$0x2], $0x1000, $0x38;
	[tilespmem:$0x16980] =	vst v63  }
0x87: {  	_ =	swait.ge [sflag:s24], $0x1000  }
0x88: {  	[sflag:s24] =	ssyncset.done $0x0  }
0x89: {  	[sflag:s24] =	ssyncadd.s32 $0xFFFFF000  }
0x8a: {  	[spmem:s20] =	stream.linear.scatter [tilespmem:s26], [sflag:$0x2], $0x1000, $0x38;
	[tilespmem:$0x16980] =	vst v63  }
0x8b: {  	_ =	swait.ge [sflag:s24], $0x1000  }
0x8c: {  	[sflag:s24] =	ssyncset.done $0x0  }
0x8d: {  	[sflag:s24] =	ssyncadd.s32 $0xFFFFF000  }
0x8e: {  	[spmem:s21] =	stream.linear.scatter [tilespmem:s26], [sflag:$0x2], $0x1000, $0x38;
	[tilespmem:$0x16980] =	vst v63  }
0x8f: {  	_ =	swait.ge [sflag:s24], $0x1000  }
0x90: {  	[sflag:s24] =	ssyncset.done $0x0  }
0x91: {  	[sflag:s24] =	ssyncadd.s32 $0xFFFFF000  }
0x92: {  	[spmem:s22] =	stream.linear.scatter [tilespmem:s26], [sflag:$0x2], $0x1000, $0x38;
	[tilespmem:$0x16980] =	vst v63  }
0x93: {  	_ =	swait.ge [sflag:s24], $0x1000  }
0x94: {  	[sflag:s24] =	ssyncset.done $0x0  }
0x95: {  	[sflag:s24] =	ssyncadd.s32 $0xFFFFF000  }
0x96: {  	[spmem:s23] =	stream.linear.scatter [tilespmem:s26], [sflag:$0x2], $0x1000, $0x38;
	[tilespmem:$0x16980] =	vst v63  }
0x97: {  	_ =	swait.ge [sflag:s24], $0x1000  }
0x98: {  	[sflag:s24] =	ssyncset.done $0x0  }
0x99: {  	[sflag:s24] =	ssyncadd.s32 $0xFFFFF000  }
0x9a: {  	[spmem:s8] =	stream.linear.scatter [tilespmem:s26], [sflag:$0x2], $0xC00, $0x38;
	[tilespmem:$0x16980] =	vst v63  }
0x9b: {  	_ =	swait.ge [sflag:s24], $0xC00  }
0x9c: {  	[sflag:s24] =	ssyncset.done $0x0  }
0x9d: {  	s6 =	simm.s32 @!p0 $0xBD00;
	[sflag:s24] =	ssyncadd.s32 $0xFFFFF400  }
0x9e: {  	[spmem:s9] =	stream.linear.scatter @!p0 [tilespmem:s6], [sflag:$0x2], $0x800, $0x38;
	[tilespmem:$0x16980] =	vst v63  }
0x9f: {  	_ =	swait.ge @!p0 [sflag:s5], $0x800  }
0xa0: {  	[sflag:s5] =	ssyncset.done @!p0 $0x0  }
0xa1: {  	[sflag:s5] =	ssyncadd.s32 @!p0 $0xFFFFF800  }
0xa2: {  	s12 =	simm.s32 $0x4E80;
	[bflag:$0x0] =	sbarrier.arrive $0xFFFF  }
0xa3: {  	[tilespmem:s29], [sflag:$0x1] =	stream.indirect.gather [hbm4b:s13+s28], $0x40, s12, s28, $0xb8;
	[tilespmem:$0x16980] =	vst v63  }
0xa4: {  	_ =	swait.ge [sflag:s30], $0x2000  }
0xa5: {  	[sflag:s30] =	ssyncset.done $0x0  }
0xa6: {  	s15 =	simm.s32 $0x0;
	[sflag:s30] =	ssyncadd.s32 $0xFFFFE000  }
0xa7: {  	[spmem:s2] =	stream.indirect.scatter.add.f32 [tilespmem:s29], [sflag:$0x2], $0x40, s15, s28, $0xb8;
	[tilespmem:$0x16980] =	vst v63  }
0xa8: {  	_ =	swait.ge [sflag:s24], $0x2000  }
0xa9: {  	s6 =	simm.s32 $0x80;
	s5 =	simm.s32 $0x400;
	[sflag:s24] =	ssyncset.done $0x0  }
.LBB2_6:
0xaa: {  	s12 =	sadd.s32 $0x4E80, s6  }
0xab: {  	[sflag:s24] =	ssyncadd.s32 $0xFFFFE000;
	s15 =	smov.u32 s5;
	s3 =	sadd.s32 $0x200, s5  }
0xac: {  	[tilespmem:s29], [sflag:$0x1] =	stream.indirect.gather [hbm4b:s13+s28], $0x40, s12, s28, $0xb8;
	[tilespmem:$0x16980] =	vst v63  }
0xad: {  	p1 =	sne.s32 s5, $0x13800;
	_ =	swait.ge [sflag:s30], $0x2000  }
.Ltmp2:
0xae: {  	[sflag:s30] =	ssyncset.done $0x0;
	(pc) =	sbr.rel @p1 .LBB2_6-.Ltmp2, $4  }
0xaf: {  	[sflag:s30] =	ssyncadd.s32 $0xFFFFE000  }
0xb0: {  	[spmem:s2] =	stream.indirect.scatter.add.f32 [tilespmem:s29], [sflag:$0x2], $0x40, s6, s28, $0xb8;
	[tilespmem:$0x16980] =	vst v63  }
0xb1: {  	_ =	swait.ge [sflag:s24], $0x2000  }
0xb2: {  	s5 =	smov.u32 s3;
	s6 =	sshra.s32 s15, $0x2;
	[sflag:s24] =	ssyncset.done $0x0  }
0xb3: {  	s3 =	sadd.s32 $0x4E80, s6;
	[sflag:s24] =	ssyncadd.s32 $0xFFFFE000  }
0xb4: {  	[tilespmem:s29], [sflag:$0x1] =	stream.indirect.gather [hbm4b:s13+s28], $0x40, s3, s28, $0xb8;
	[tilespmem:$0x16980] =	vst v63  }
0xb5: {  	_ =	swait.ge [sflag:s30], $0x2000  }
0xb6: {  	[sflag:s30] =	ssyncset.done $0x0  }
0xb7: {  	[sflag:s30] =	ssyncadd.s32 $0xFFFFE000  }
0xb8: {  	[spmem:s2] =	stream.indirect.scatter.add.f32 [tilespmem:s29], [sflag:$0x2], $0x40, s6, s28, $0xb8;
	[tilespmem:$0x16980] =	vst v63  }
0xb9: {  	_ =	swait.ge [sflag:s24], $0x2000  }
0xba: {  	[sflag:s24] =	ssyncset.done $0x0  }
0xbb: {  	[sflag:s24] =	ssyncadd.s32 $0xFFFFE000  }
0xbc: {  	s15 =	sadd.s32 s11, s14;
	[bflag:$0x0] =	sbarrier.arrive $0xFFFF  }
0xbd: {  	[hbm:s15], [sflag:s0] =	dma.local [spmem:s25], $0x1380  }
0xbe: {  	_ =	swait.ge [sflag:s24], $0x1380  }
0xbf: {  	[sflag:s24] =	ssyncset.done $0x0  }
0xc0: {  	s3 =	sadd.s32 @!p0 $0x13800, s14;
	[sflag:s24] =	ssyncadd.s32 $0xFFFFEC80  }
0xc1: {  	[hbm:s3], [sflag:s0] =	dma.local @!p0 [spmem:s1], $0x80  }
0xc2: {  	s0 =	simm.s32 @!p0 $0x2  }
0xc3: {  	_ =	swait.ge @!p0 [sflag:s0], $0x80  }
0xc4: {  	s31 =	sadd.s32 $0x1, s31;
	s25 =	rddreg [dreg:$0x7]  }
0xc5: {  	p1 =	sne.s32 s31, s25  }
.Ltmp3:
0xc6: {  	_ = 	snop;
	(pc) =	sbr.rel @p1 .LBB2_1-.Ltmp3, $3  }
0xc7: {  	[sflag:s0] =	ssyncset.done @!p0 $0x0  }
0xc8: {  	[sflag:s0] =	ssyncadd.s32 @!p0 $0xFFFFFF80  }
0xc9: {  	[bflag:$0x0] =	sbarrier.arrive $0xFFFF;
	_ =	sdelay $0x1  }
0xca: {  	_ =	sfence.sel $0x180000  }
0xcb: {  	[bflag:$0x0] =	sbarrier.arrive $0xFFFF  }
0xcc: {  	_ =	strace $0x90000047  }
0xcd: {  	s0 =	stileid.u32;
	[bflag:$0x2] =	sbarrier.arrive $0xFFFF  }
0xce: {  	p0 =	sne.s32 s0, $0x0;
	s0 =	rddreg [dreg:$0x3]  }
0xcf: {  	s0 =	sadd.s32 @!p0 $0x100000, s0  }
0xd0: {  	[sflag:s0] =	ssyncadd.tile.s32 @!p0 $0x1;
	_ =	shalt  }
.Lfunc_end2:
_tile_overlayer_lowered:
.L_overlay_start_2:
0xd1: {  	(tag) =	ssettag $0x2  }
0xd2: {  	s0 =	rddreg [dreg:$0x0];
	s2 =	stileid.u32  }
0xd3: {  	s1 =	rddreg [dreg:$0x1];
	p0 =	sne.s32 s2, $0x0  }
0xd4: {  	s3 =	rddreg [dreg:$0x2];
	[bflag:$0x3] =	sbarrier.arrive $0xFFFF;
	s2 =	simm.s32 @!p0 $0x1C02  }
0xd5: {  	[timem:s3], [sflag:s2] =	dma.local @!p0 [hbm:s0], s1  }
0xd6: {  	s0 =	simm.s32 @!p0 $0x2  }
0xd7: {  	_ =	swait.ge @!p0 [sflag:s0], s1  }
0xd8: {  	s1 =	ssub.s32 @!p0 $0x0, s1;
	[sflag:s0] =	ssyncset.done @!p0 $0x0  }
0xd9: {  	[sflag:s0] =	ssyncadd.s32 @!p0 s1  }
0xda: {  	[bflag:$0x3] =	sbarrier.arrive $0xFFFF  }
0xdb: {  	_ =	shalt  }

</sc_bundles>
